<compile_context>
chip_gen: v7x
topology: tpu7x:2x2x1
jax: 0.10.2.dev20260603
libtpu: 0.0.44.dev20260713+nightly
codegen_flags: <defaults>
</compile_context>

<pallas_src>
import functools

import jax
import jax.numpy as jnp
from jax import lax
from jax.experimental import pallas as pl
from jax.experimental.pallas import tpu as pltpu
from jax.experimental.pallas import tpu_sc as plsc

BATCH = 4096
HIST = 200
EMBED = 64
NUM_WORKERS = 32
B_PER_W = BATCH // NUM_WORKERS
GCHUNK = 40
N_GCHUNK = HIST // GCHUNK
NBUF = 4


def _sc_gather(table, idx):
    mesh = plsc.VectorSubcoreMesh(core_axis_name="c", subcore_axis_name="s")

    @functools.partial(
        pl.kernel,
        mesh=mesh,
        out_type=jax.ShapeDtypeStruct((BATCH, HIST, EMBED), jnp.float32),
        scratch_types=[
            pltpu.VMEM((B_PER_W, HIST), jnp.int32),
            pltpu.VMEM((NBUF, HIST, EMBED), jnp.float32),
        ] + [pltpu.SemaphoreType.DMA] * NBUF,
        compiler_params=pltpu.CompilerParams(use_tc_tiling_on_sc=False),
    )
    def k(table_hbm, idx_hbm, out_hbm, idx_v, rows_v, *gsems):
        wid = lax.axis_index("s") * 2 + lax.axis_index("c")
        b0 = wid * B_PER_W

        pltpu.sync_copy(idx_hbm.at[pl.ds(b0, B_PER_W)], idx_v)

        def start_gathers(b_local, k_buf):
            for c in range(N_GCHUNK):
                pltpu.async_copy(
                    table_hbm.at[idx_v.at[b_local, pl.ds(c * GCHUNK, GCHUNK)]],
                    rows_v.at[k_buf, pl.ds(c * GCHUNK, GCHUNK)],
                    gsems[k_buf],
                )

        for k_buf in range(NBUF):
            start_gathers(k_buf, k_buf)

        def outer(o, carry):
            for k_buf in range(NBUF):
                b = o * NBUF + k_buf
                dst = out_hbm.at[b0 + b]
                pltpu.make_async_copy(
                    dst, rows_v.at[k_buf], gsems[k_buf]).wait()
                pltpu.sync_copy(rows_v.at[k_buf], dst)
                j = b + NBUF

                @pl.when(j < B_PER_W)
                def _():
                    start_gathers(j, k_buf)

            return carry

        lax.fori_loop(0, B_PER_W // NBUF, outer, 0)

    return k(table, idx)


def kernel(inputs, embeddings):
    return _sc_gather(embeddings, inputs.astype(jnp.int32))

# --- scband reference (transcript-rebuilt; emitter-appended) ---
"""Pipeline reference for scband-vocabulary-14826227106557 (READ-ONLY COPY).

The authoritative reference and input builder live on the scoring server;
editing this copy changes nothing except your own understanding.
"""

import jax, jax.numpy as jnp
import numpy as np

VOCAB = 1000000
EMBED_DIM = 64
BATCH = 4096
HIST = 200

def setup_inputs(seed: int = 0) -> dict:
    key = jax.random.key(seed)
    k_idx, k_tab = jax.random.split(key)
    inputs = jax.random.randint(k_idx, (BATCH, HIST), 0, VOCAB, dtype=jnp.int64)
    embeddings = jax.random.normal(k_tab, (VOCAB, EMBED_DIM), dtype=jnp.float32)
    return {"inputs": inputs, "embeddings": embeddings}

def reference(inputs, embeddings):
    # Vocabulary.forward -> getEmbedding -> nn.Embedding(wordsID)
    # Pure embedding lookup: gather rows of the table by index.
    return jnp.take(embeddings, inputs, axis=0)

if __name__ == "__main__":
    import jax
    _d = setup_inputs()
    print(jax.jit(kernel)(*tuple(_d.values())))

</pallas_src>

<mosaic_0001>
#map = affine_map<(d0, d1) -> (0, 0)>
#map1 = affine_map<(d0, d1) -> (0, 0, 0)>
module attributes {stable_mosaic.version = 14 : i64} {
  func.func @k(%arg0: i32, %arg1: i32, %arg2: memref<1000000x64xf32, #tpu.memory_space<hbm>>, %arg3: memref<4096x200xi32, #tpu.memory_space<hbm>>, %arg4: memref<4096x200x64xf32, #tpu.memory_space<hbm>>, %arg5: memref<128x200xi32, #tpu.memory_space<vmem>>, %arg6: memref<4x200x64xf32, #tpu.memory_space<vmem>>, %arg7: memref<!tpu.dma_semaphore, #tpu.memory_space<semaphore_mem>>, %arg8: memref<!tpu.dma_semaphore, #tpu.memory_space<semaphore_mem>>, %arg9: memref<!tpu.dma_semaphore, #tpu.memory_space<semaphore_mem>>, %arg10: memref<!tpu.dma_semaphore, #tpu.memory_space<semaphore_mem>>) attributes {dimension_semantics = [#tpu.dimension_semantics<core_parallel>, #tpu.dimension_semantics<subcore_parallel>], iteration_bounds = array<i64: 2, 16>, scalar_prefetch = 0 : i64, scratch_operands = 6 : i64, tpu.core_type = #tpu.core_type<sc_vector_subcore>, window_params = [{transform_indices = #map}, {transform_indices = #map}, {transform_indices = #map1}]} {
    %mul3A = arith.constant 2 : i32
    %mul3A_0 = arith.muli %arg1, %mul3A : i32
    %add3A = arith.addi %mul3A_0, %arg0 : i32
    %mul3A_1 = arith.constant 128 : i32
    %mul3A_2 = arith.muli %add3A, %mul3A_1 : i32
    "tpu.region"() ({
      %run_scoped3A = tpu.sem_alloc : memref<!tpu.dma_semaphore, #tpu.memory_space<semaphore_mem>>
      %dma_start3A_247 = arith.constant 0 : i32
      %dma_start3A_248 = tpu.memref_slice %arg3[%mul3A_2, %dma_start3A_247] : memref<4096x200xi32, #tpu.memory_space<hbm>> -> memref<128x200xi32, #tpu.memory_space<hbm>>
      %dma_start3A_249 = arith.constant 0 : i32
      %dma_start3A_250 = tpu.memref_slice %arg3[%mul3A_2, %dma_start3A_249] : memref<4096x200xi32, #tpu.memory_space<hbm>> -> memref<128x200xi32, #tpu.memory_space<hbm>>
      tpu.enqueue_dma source(%dma_start3A_250 : memref<128x200xi32, #tpu.memory_space<hbm>>) target(%arg5 : memref<128x200xi32, #tpu.memory_space<vmem>>) target_semaphore(%run_scoped3A : memref<!tpu.dma_semaphore, #tpu.memory_space<semaphore_mem>>)
      %dma_wait3A = arith.constant 0 : i32
      %dma_wait3A_251 = tpu.memref_slice %arg3[%mul3A_2, %dma_wait3A] : memref<4096x200xi32, #tpu.memory_space<hbm>> -> memref<128x200xi32, #tpu.memory_space<hbm>>
      %dma_wait3A_252 = arith.constant 0 : i32
      %dma_wait3A_253 = tpu.memref_slice %arg3[%mul3A_2, %dma_wait3A_252] : memref<4096x200xi32, #tpu.memory_space<hbm>> -> memref<128x200xi32, #tpu.memory_space<hbm>>
      tpu.wait_dma2 semaphore(%run_scoped3A : memref<!tpu.dma_semaphore, #tpu.memory_space<semaphore_mem>>) src(%dma_wait3A_253 : memref<128x200xi32, #tpu.memory_space<hbm>>) dst(%arg5 : memref<128x200xi32, #tpu.memory_space<vmem>>)
      tpu.yield
    }) : () -> ()
    %dma_start3A = arith.constant 0 : i32
    %dma_start3A_3 = arith.constant 0 : i32
    %dma_start3A_4 = arith.constant 0 : i32
    %dma_start3A_5 = arith.constant 0 : i32
    %dma_start3A_6 = tpu.memref_slice %arg6[%dma_start3A_3, %dma_start3A_4, %dma_start3A_5] : memref<4x200x64xf32, #tpu.memory_space<vmem>> -> memref<1x40x64xf32, #tpu.memory_space<vmem>>
    %dma_start3A_7 = tpu.memref_squeeze %dma_start3A_6 : memref<1x40x64xf32, #tpu.memory_space<vmem>> -> memref<40x64xf32, #tpu.memory_space<vmem>>
    %dma_start3A_8 = arith.constant 0 : i32
    %dma_start3A_9 = tpu.memref_slice %arg5[%dma_start3A, %dma_start3A_8] : memref<128x200xi32, #tpu.memory_space<vmem>> -> memref<1x40xi32, #tpu.memory_space<vmem>>
    %dma_start3A_10 = tpu.memref_squeeze %dma_start3A_9 : memref<1x40xi32, #tpu.memory_space<vmem>> -> memref<40xi32, #tpu.memory_space<vmem>>
    %dma_start3A_11 = arith.constant 0 : i32
    %dma_start3A_12 = arith.constant 0 : i32
    %dma_start3A_13 = tpu.memref_slice %arg2[%dma_start3A_11, %dma_start3A_12] : memref<1000000x64xf32, #tpu.memory_space<hbm>> -> memref<1000000x64xf32, #tpu.memory_space<hbm>>
    tpu.enqueue_indirect_dma source(%dma_start3A_13 : memref<1000000x64xf32, #tpu.memory_space<hbm>>) target(%dma_start3A_7 : memref<40x64xf32, #tpu.memory_space<vmem>>) offsets(%dma_start3A_10 : memref<40xi32, #tpu.memory_space<vmem>>) semaphore(%arg7 : memref<!tpu.dma_semaphore, #tpu.memory_space<semaphore_mem>>)
    %dma_start3A_14 = arith.constant 0 : i32
    %dma_start3A_15 = arith.constant 0 : i32
    %dma_start3A_16 = arith.constant 40 : i32
    %dma_start3A_17 = arith.constant 0 : i32
    %dma_start3A_18 = tpu.memref_slice %arg6[%dma_start3A_15, %dma_start3A_16, %dma_start3A_17] : memref<4x200x64xf32, #tpu.memory_space<vmem>> -> memref<1x40x64xf32, #tpu.memory_space<vmem>>
    %dma_start3A_19 = tpu.memref_squeeze %dma_start3A_18 : memref<1x40x64xf32, #tpu.memory_space<vmem>> -> memref<40x64xf32, #tpu.memory_space<vmem>>
    %dma_start3A_20 = arith.constant 40 : i32
    %dma_start3A_21 = tpu.memref_slice %arg5[%dma_start3A_14, %dma_start3A_20] : memref<128x200xi32, #tpu.memory_space<vmem>> -> memref<1x40xi32, #tpu.memory_space<vmem>>
    %dma_start3A_22 = tpu.memref_squeeze %dma_start3A_21 : memref<1x40xi32, #tpu.memory_space<vmem>> -> memref<40xi32, #tpu.memory_space<vmem>>
    %dma_start3A_23 = arith.constant 0 : i32
    %dma_start3A_24 = arith.constant 0 : i32
    %dma_start3A_25 = tpu.memref_slice %arg2[%dma_start3A_23, %dma_start3A_24] : memref<1000000x64xf32, #tpu.memory_space<hbm>> -> memref<1000000x64xf32, #tpu.memory_space<hbm>>
    tpu.enqueue_indirect_dma source(%dma_start3A_25 : memref<1000000x64xf32, #tpu.memory_space<hbm>>) target(%dma_start3A_19 : memref<40x64xf32, #tpu.memory_space<vmem>>) offsets(%dma_start3A_22 : memref<40xi32, #tpu.memory_space<vmem>>) semaphore(%arg7 : memref<!tpu.dma_semaphore, #tpu.memory_space<semaphore_mem>>)
    %dma_start3A_26 = arith.constant 0 : i32
    %dma_start3A_27 = arith.constant 0 : i32
    %dma_start3A_28 = arith.constant 80 : i32
    %dma_start3A_29 = arith.constant 0 : i32
    %dma_start3A_30 = tpu.memref_slice %arg6[%dma_start3A_27, %dma_start3A_28, %dma_start3A_29] : memref<4x200x64xf32, #tpu.memory_space<vmem>> -> memref<1x40x64xf32, #tpu.memory_space<vmem>>
    %dma_start3A_31 = tpu.memref_squeeze %dma_start3A_30 : memref<1x40x64xf32, #tpu.memory_space<vmem>> -> memref<40x64xf32, #tpu.memory_space<vmem>>
    %dma_start3A_32 = arith.constant 80 : i32
    %dma_start3A_33 = tpu.memref_slice %arg5[%dma_start3A_26, %dma_start3A_32] : memref<128x200xi32, #tpu.memory_space<vmem>> -> memref<1x40xi32, #tpu.memory_space<vmem>>
    %dma_start3A_34 = tpu.memref_squeeze %dma_start3A_33 : memref<1x40xi32, #tpu.memory_space<vmem>> -> memref<40xi32, #tpu.memory_space<vmem>>
    %dma_start3A_35 = arith.constant 0 : i32
    %dma_start3A_36 = arith.constant 0 : i32
    %dma_start3A_37 = tpu.memref_slice %arg2[%dma_start3A_35, %dma_start3A_36] : memref<1000000x64xf32, #tpu.memory_space<hbm>> -> memref<1000000x64xf32, #tpu.memory_space<hbm>>
    tpu.enqueue_indirect_dma source(%dma_start3A_37 : memref<1000000x64xf32, #tpu.memory_space<hbm>>) target(%dma_start3A_31 : memref<40x64xf32, #tpu.memory_space<vmem>>) offsets(%dma_start3A_34 : memref<40xi32, #tpu.memory_space<vmem>>) semaphore(%arg7 : memref<!tpu.dma_semaphore, #tpu.memory_space<semaphore_mem>>)
    %dma_start3A_38 = arith.constant 0 : i32
    %dma_start3A_39 = arith.constant 0 : i32
    %dma_start3A_40 = arith.constant 120 : i32
    %dma_start3A_41 = arith.constant 0 : i32
    %dma_start3A_42 = tpu.memref_slice %arg6[%dma_start3A_39, %dma_start3A_40, %dma_start3A_41] : memref<4x200x64xf32, #tpu.memory_space<vmem>> -> memref<1x40x64xf32, #tpu.memory_space<vmem>>
    %dma_start3A_43 = tpu.memref_squeeze %dma_start3A_42 : memref<1x40x64xf32, #tpu.memory_space<vmem>> -> memref<40x64xf32, #tpu.memory_space<vmem>>
    %dma_start3A_44 = arith.constant 120 : i32
    %dma_start3A_45 = tpu.memref_slice %arg5[%dma_start3A_38, %dma_start3A_44] : memref<128x200xi32, #tpu.memory_space<vmem>> -> memref<1x40xi32, #tpu.memory_space<vmem>>
    %dma_start3A_46 = tpu.memref_squeeze %dma_start3A_45 : memref<1x40xi32, #tpu.memory_space<vmem>> -> memref<40xi32, #tpu.memory_space<vmem>>
    %dma_start3A_47 = arith.constant 0 : i32
    %dma_start3A_48 = arith.constant 0 : i32
    %dma_start3A_49 = tpu.memref_slice %arg2[%dma_start3A_47, %dma_start3A_48] : memref<1000000x64xf32, #tpu.memory_space<hbm>> -> memref<1000000x64xf32, #tpu.memory_space<hbm>>
    tpu.enqueue_indirect_dma source(%dma_start3A_49 : memref<1000000x64xf32, #tpu.memory_space<hbm>>) target(%dma_start3A_43 : memref<40x64xf32, #tpu.memory_space<vmem>>) offsets(%dma_start3A_46 : memref<40xi32, #tpu.memory_space<vmem>>) semaphore(%arg7 : memref<!tpu.dma_semaphore, #tpu.memory_space<semaphore_mem>>)
    %dma_start3A_50 = arith.constant 0 : i32
    %dma_start3A_51 = arith.constant 0 : i32
    %dma_start3A_52 = arith.constant 160 : i32
    %dma_start3A_53 = arith.constant 0 : i32
    %dma_start3A_54 = tpu.memref_slice %arg6[%dma_start3A_51, %dma_start3A_52, %dma_start3A_53] : memref<4x200x64xf32, #tpu.memory_space<vmem>> -> memref<1x40x64xf32, #tpu.memory_space<vmem>>
    %dma_start3A_55 = tpu.memref_squeeze %dma_start3A_54 : memref<1x40x64xf32, #tpu.memory_space<vmem>> -> memref<40x64xf32, #tpu.memory_space<vmem>>
    %dma_start3A_56 = arith.constant 160 : i32
    %dma_start3A_57 = tpu.memref_slice %arg5[%dma_start3A_50, %dma_start3A_56] : memref<128x200xi32, #tpu.memory_space<vmem>> -> memref<1x40xi32, #tpu.memory_space<vmem>>
    %dma_start3A_58 = tpu.memref_squeeze %dma_start3A_57 : memref<1x40xi32, #tpu.memory_space<vmem>> -> memref<40xi32, #tpu.memory_space<vmem>>
    %dma_start3A_59 = arith.constant 0 : i32
    %dma_start3A_60 = arith.constant 0 : i32
    %dma_start3A_61 = tpu.memref_slice %arg2[%dma_start3A_59, %dma_start3A_60] : memref<1000000x64xf32, #tpu.memory_space<hbm>> -> memref<1000000x64xf32, #tpu.memory_space<hbm>>
    tpu.enqueue_indirect_dma source(%dma_start3A_61 : memref<1000000x64xf32, #tpu.memory_space<hbm>>) target(%dma_start3A_55 : memref<40x64xf32, #tpu.memory_space<vmem>>) offsets(%dma_start3A_58 : memref<40xi32, #tpu.memory_space<vmem>>) semaphore(%arg7 : memref<!tpu.dma_semaphore, #tpu.memory_space<semaphore_mem>>)
    %dma_start3A_62 = arith.constant 1 : i32
    %dma_start3A_63 = arith.constant 1 : i32
    %dma_start3A_64 = arith.constant 0 : i32
    %dma_start3A_65 = arith.constant 0 : i32
    %dma_start3A_66 = tpu.memref_slice %arg6[%dma_start3A_63, %dma_start3A_64, %dma_start3A_65] : memref<4x200x64xf32, #tpu.memory_space<vmem>> -> memref<1x40x64xf32, #tpu.memory_space<vmem>>
    %dma_start3A_67 = tpu.memref_squeeze %dma_start3A_66 : memref<1x40x64xf32, #tpu.memory_space<vmem>> -> memref<40x64xf32, #tpu.memory_space<vmem>>
    %dma_start3A_68 = arith.constant 0 : i32
    %dma_start3A_69 = tpu.memref_slice %arg5[%dma_start3A_62, %dma_start3A_68] : memref<128x200xi32, #tpu.memory_space<vmem>> -> memref<1x40xi32, #tpu.memory_space<vmem>>
    %dma_start3A_70 = tpu.memref_squeeze %dma_start3A_69 : memref<1x40xi32, #tpu.memory_space<vmem>> -> memref<40xi32, #tpu.memory_space<vmem>>
    %dma_start3A_71 = arith.constant 0 : i32
    %dma_start3A_72 = arith.constant 0 : i32
    %dma_start3A_73 = tpu.memref_slice %arg2[%dma_start3A_71, %dma_start3A_72] : memref<1000000x64xf32, #tpu.memory_space<hbm>> -> memref<1000000x64xf32, #tpu.memory_space<hbm>>
    tpu.enqueue_indirect_dma source(%dma_start3A_73 : memref<1000000x64xf32, #tpu.memory_space<hbm>>) target(%dma_start3A_67 : memref<40x64xf32, #tpu.memory_space<vmem>>) offsets(%dma_start3A_70 : memref<40xi32, #tpu.memory_space<vmem>>) semaphore(%arg8 : memref<!tpu.dma_semaphore, #tpu.memory_space<semaphore_mem>>)
    %dma_start3A_74 = arith.constant 1 : i32
    %dma_start3A_75 = arith.constant 1 : i32
    %dma_start3A_76 = arith.constant 40 : i32
    %dma_start3A_77 = arith.constant 0 : i32
    %dma_start3A_78 = tpu.memref_slice %arg6[%dma_start3A_75, %dma_start3A_76, %dma_start3A_77] : memref<4x200x64xf32, #tpu.memory_space<vmem>> -> memref<1x40x64xf32, #tpu.memory_space<vmem>>
    %dma_start3A_79 = tpu.memref_squeeze %dma_start3A_78 : memref<1x40x64xf32, #tpu.memory_space<vmem>> -> memref<40x64xf32, #tpu.memory_space<vmem>>
    %dma_start3A_80 = arith.constant 40 : i32
    %dma_start3A_81 = tpu.memref_slice %arg5[%dma_start3A_74, %dma_start3A_80] : memref<128x200xi32, #tpu.memory_space<vmem>> -> memref<1x40xi32, #tpu.memory_space<vmem>>
    %dma_start3A_82 = tpu.memref_squeeze %dma_start3A_81 : memref<1x40xi32, #tpu.memory_space<vmem>> -> memref<40xi32, #tpu.memory_space<vmem>>
    %dma_start3A_83 = arith.constant 0 : i32
    %dma_start3A_84 = arith.constant 0 : i32
    %dma_start3A_85 = tpu.memref_slice %arg2[%dma_start3A_83, %dma_start3A_84] : memref<1000000x64xf32, #tpu.memory_space<hbm>> -> memref<1000000x64xf32, #tpu.memory_space<hbm>>
    tpu.enqueue_indirect_dma source(%dma_start3A_85 : memref<1000000x64xf32, #tpu.memory_space<hbm>>) target(%dma_start3A_79 : memref<40x64xf32, #tpu.memory_space<vmem>>) offsets(%dma_start3A_82 : memref<40xi32, #tpu.memory_space<vmem>>) semaphore(%arg8 : memref<!tpu.dma_semaphore, #tpu.memory_space<semaphore_mem>>)
    %dma_start3A_86 = arith.constant 1 : i32
    %dma_start3A_87 = arith.constant 1 : i32
    %dma_start3A_88 = arith.constant 80 : i32
    %dma_start3A_89 = arith.constant 0 : i32
    %dma_start3A_90 = tpu.memref_slice %arg6[%dma_start3A_87, %dma_start3A_88, %dma_start3A_89] : memref<4x200x64xf32, #tpu.memory_space<vmem>> -> memref<1x40x64xf32, #tpu.memory_space<vmem>>
    %dma_start3A_91 = tpu.memref_squeeze %dma_start3A_90 : memref<1x40x64xf32, #tpu.memory_space<vmem>> -> memref<40x64xf32, #tpu.memory_space<vmem>>
    %dma_start3A_92 = arith.constant 80 : i32
    %dma_start3A_93 = tpu.memref_slice %arg5[%dma_start3A_86, %dma_start3A_92] : memref<128x200xi32, #tpu.memory_space<vmem>> -> memref<1x40xi32, #tpu.memory_space<vmem>>
    %dma_start3A_94 = tpu.memref_squeeze %dma_start3A_93 : memref<1x40xi32, #tpu.memory_space<vmem>> -> memref<40xi32, #tpu.memory_space<vmem>>
    %dma_start3A_95 = arith.constant 0 : i32
    %dma_start3A_96 = arith.constant 0 : i32
    %dma_start3A_97 = tpu.memref_slice %arg2[%dma_start3A_95, %dma_start3A_96] : memref<1000000x64xf32, #tpu.memory_space<hbm>> -> memref<1000000x64xf32, #tpu.memory_space<hbm>>
    tpu.enqueue_indirect_dma source(%dma_start3A_97 : memref<1000000x64xf32, #tpu.memory_space<hbm>>) target(%dma_start3A_91 : memref<40x64xf32, #tpu.memory_space<vmem>>) offsets(%dma_start3A_94 : memref<40xi32, #tpu.memory_space<vmem>>) semaphore(%arg8 : memref<!tpu.dma_semaphore, #tpu.memory_space<semaphore_mem>>)
    %dma_start3A_98 = arith.constant 1 : i32
    %dma_start3A_99 = arith.constant 1 : i32
    %dma_start3A_100 = arith.constant 120 : i32
    %dma_start3A_101 = arith.constant 0 : i32
    %dma_start3A_102 = tpu.memref_slice %arg6[%dma_start3A_99, %dma_start3A_100, %dma_start3A_101] : memref<4x200x64xf32, #tpu.memory_space<vmem>> -> memref<1x40x64xf32, #tpu.memory_space<vmem>>
    %dma_start3A_103 = tpu.memref_squeeze %dma_start3A_102 : memref<1x40x64xf32, #tpu.memory_space<vmem>> -> memref<40x64xf32, #tpu.memory_space<vmem>>
    %dma_start3A_104 = arith.constant 120 : i32
    %dma_start3A_105 = tpu.memref_slice %arg5[%dma_start3A_98, %dma_start3A_104] : memref<128x200xi32, #tpu.memory_space<vmem>> -> memref<1x40xi32, #tpu.memory_space<vmem>>
    %dma_start3A_106 = tpu.memref_squeeze %dma_start3A_105 : memref<1x40xi32, #tpu.memory_space<vmem>> -> memref<40xi32, #tpu.memory_space<vmem>>
    %dma_start3A_107 = arith.constant 0 : i32
    %dma_start3A_108 = arith.constant 0 : i32
    %dma_start3A_109 = tpu.memref_slice %arg2[%dma_start3A_107, %dma_start3A_108] : memref<1000000x64xf32, #tpu.memory_space<hbm>> -> memref<1000000x64xf32, #tpu.memory_space<hbm>>
    tpu.enqueue_indirect_dma source(%dma_start3A_109 : memref<1000000x64xf32, #tpu.memory_space<hbm>>) target(%dma_start3A_103 : memref<40x64xf32, #tpu.memory_space<vmem>>) offsets(%dma_start3A_106 : memref<40xi32, #tpu.memory_space<vmem>>) semaphore(%arg8 : memref<!tpu.dma_semaphore, #tpu.memory_space<semaphore_mem>>)
    %dma_start3A_110 = arith.constant 1 : i32
    %dma_start3A_111 = arith.constant 1 : i32
    %dma_start3A_112 = arith.constant 160 : i32
    %dma_start3A_113 = arith.constant 0 : i32
    %dma_start3A_114 = tpu.memref_slice %arg6[%dma_start3A_111, %dma_start3A_112, %dma_start3A_113] : memref<4x200x64xf32, #tpu.memory_space<vmem>> -> memref<1x40x64xf32, #tpu.memory_space<vmem>>
    %dma_start3A_115 = tpu.memref_squeeze %dma_start3A_114 : memref<1x40x64xf32, #tpu.memory_space<vmem>> -> memref<40x64xf32, #tpu.memory_space<vmem>>
    %dma_start3A_116 = arith.constant 160 : i32
    %dma_start3A_117 = tpu.memref_slice %arg5[%dma_start3A_110, %dma_start3A_116] : memref<128x200xi32, #tpu.memory_space<vmem>> -> memref<1x40xi32, #tpu.memory_space<vmem>>
    %dma_start3A_118 = tpu.memref_squeeze %dma_start3A_117 : memref<1x40xi32, #tpu.memory_space<vmem>> -> memref<40xi32, #tpu.memory_space<vmem>>
    %dma_start3A_119 = arith.constant 0 : i32
    %dma_start3A_120 = arith.constant 0 : i32
    %dma_start3A_121 = tpu.memref_slice %arg2[%dma_start3A_119, %dma_start3A_120] : memref<1000000x64xf32, #tpu.memory_space<hbm>> -> memref<1000000x64xf32, #tpu.memory_space<hbm>>
    tpu.enqueue_indirect_dma source(%dma_start3A_121 : memref<1000000x64xf32, #tpu.memory_space<hbm>>) target(%dma_start3A_115 : memref<40x64xf32, #tpu.memory_space<vmem>>) offsets(%dma_start3A_118 : memref<40xi32, #tpu.memory_space<vmem>>) semaphore(%arg8 : memref<!tpu.dma_semaphore, #tpu.memory_space<semaphore_mem>>)
    %dma_start3A_122 = arith.constant 2 : i32
    %dma_start3A_123 = arith.constant 2 : i32
    %dma_start3A_124 = arith.constant 0 : i32
    %dma_start3A_125 = arith.constant 0 : i32
    %dma_start3A_126 = tpu.memref_slice %arg6[%dma_start3A_123, %dma_start3A_124, %dma_start3A_125] : memref<4x200x64xf32, #tpu.memory_space<vmem>> -> memref<1x40x64xf32, #tpu.memory_space<vmem>>
    %dma_start3A_127 = tpu.memref_squeeze %dma_start3A_126 : memref<1x40x64xf32, #tpu.memory_space<vmem>> -> memref<40x64xf32, #tpu.memory_space<vmem>>
    %dma_start3A_128 = arith.constant 0 : i32
    %dma_start3A_129 = tpu.memref_slice %arg5[%dma_start3A_122, %dma_start3A_128] : memref<128x200xi32, #tpu.memory_space<vmem>> -> memref<1x40xi32, #tpu.memory_space<vmem>>
    %dma_start3A_130 = tpu.memref_squeeze %dma_start3A_129 : memref<1x40xi32, #tpu.memory_space<vmem>> -> memref<40xi32, #tpu.memory_space<vmem>>
    %dma_start3A_131 = arith.constant 0 : i32
    %dma_start3A_132 = arith.constant 0 : i32
    %dma_start3A_133 = tpu.memref_slice %arg2[%dma_start3A_131, %dma_start3A_132] : memref<1000000x64xf32, #tpu.memory_space<hbm>> -> memref<1000000x64xf32, #tpu.memory_space<hbm>>
    tpu.enqueue_indirect_dma source(%dma_start3A_133 : memref<1000000x64xf32, #tpu.memory_space<hbm>>) target(%dma_start3A_127 : memref<40x64xf32, #tpu.memory_space<vmem>>) offsets(%dma_start3A_130 : memref<40xi32, #tpu.memory_space<vmem>>) semaphore(%arg9 : memref<!tpu.dma_semaphore, #tpu.memory_space<semaphore_mem>>)
    %dma_start3A_134 = arith.constant 2 : i32
    %dma_start3A_135 = arith.constant 2 : i32
    %dma_start3A_136 = arith.constant 40 : i32
    %dma_start3A_137 = arith.constant 0 : i32
    %dma_start3A_138 = tpu.memref_slice %arg6[%dma_start3A_135, %dma_start3A_136, %dma_start3A_137] : memref<4x200x64xf32, #tpu.memory_space<vmem>> -> memref<1x40x64xf32, #tpu.memory_space<vmem>>
    %dma_start3A_139 = tpu.memref_squeeze %dma_start3A_138 : memref<1x40x64xf32, #tpu.memory_space<vmem>> -> memref<40x64xf32, #tpu.memory_space<vmem>>
    %dma_start3A_140 = arith.constant 40 : i32
    %dma_start3A_141 = tpu.memref_slice %arg5[%dma_start3A_134, %dma_start3A_140] : memref<128x200xi32, #tpu.memory_space<vmem>> -> memref<1x40xi32, #tpu.memory_space<vmem>>
    %dma_start3A_142 = tpu.memref_squeeze %dma_start3A_141 : memref<1x40xi32, #tpu.memory_space<vmem>> -> memref<40xi32, #tpu.memory_space<vmem>>
    %dma_start3A_143 = arith.constant 0 : i32
    %dma_start3A_144 = arith.constant 0 : i32
    %dma_start3A_145 = tpu.memref_slice %arg2[%dma_start3A_143, %dma_start3A_144] : memref<1000000x64xf32, #tpu.memory_space<hbm>> -> memref<1000000x64xf32, #tpu.memory_space<hbm>>
    tpu.enqueue_indirect_dma source(%dma_start3A_145 : memref<1000000x64xf32, #tpu.memory_space<hbm>>) target(%dma_start3A_139 : memref<40x64xf32, #tpu.memory_space<vmem>>) offsets(%dma_start3A_142 : memref<40xi32, #tpu.memory_space<vmem>>) semaphore(%arg9 : memref<!tpu.dma_semaphore, #tpu.memory_space<semaphore_mem>>)
    %dma_start3A_146 = arith.constant 2 : i32
    %dma_start3A_147 = arith.constant 2 : i32
    %dma_start3A_148 = arith.constant 80 : i32
    %dma_start3A_149 = arith.constant 0 : i32
    %dma_start3A_150 = tpu.memref_slice %arg6[%dma_start3A_147, %dma_start3A_148, %dma_start3A_149] : memref<4x200x64xf32, #tpu.memory_space<vmem>> -> memref<1x40x64xf32, #tpu.memory_space<vmem>>
    %dma_start3A_151 = tpu.memref_squeeze %dma_start3A_150 : memref<1x40x64xf32, #tpu.memory_space<vmem>> -> memref<40x64xf32, #tpu.memory_space<vmem>>
    %dma_start3A_152 = arith.constant 80 : i32
    %dma_start3A_153 = tpu.memref_slice %arg5[%dma_start3A_146, %dma_start3A_152] : memref<128x200xi32, #tpu.memory_space<vmem>> -> memref<1x40xi32, #tpu.memory_space<vmem>>
    %dma_start3A_154 = tpu.memref_squeeze %dma_start3A_153 : memref<1x40xi32, #tpu.memory_space<vmem>> -> memref<40xi32, #tpu.memory_space<vmem>>
    %dma_start3A_155 = arith.constant 0 : i32
    %dma_start3A_156 = arith.constant 0 : i32
    %dma_start3A_157 = tpu.memref_slice %arg2[%dma_start3A_155, %dma_start3A_156] : memref<1000000x64xf32, #tpu.memory_space<hbm>> -> memref<1000000x64xf32, #tpu.memory_space<hbm>>
    tpu.enqueue_indirect_dma source(%dma_start3A_157 : memref<1000000x64xf32, #tpu.memory_space<hbm>>) target(%dma_start3A_151 : memref<40x64xf32, #tpu.memory_space<vmem>>) offsets(%dma_start3A_154 : memref<40xi32, #tpu.memory_space<vmem>>) semaphore(%arg9 : memref<!tpu.dma_semaphore, #tpu.memory_space<semaphore_mem>>)
    %dma_start3A_158 = arith.constant 2 : i32
    %dma_start3A_159 = arith.constant 2 : i32
    %dma_start3A_160 = arith.constant 120 : i32
    %dma_start3A_161 = arith.constant 0 : i32
    %dma_start3A_162 = tpu.memref_slice %arg6[%dma_start3A_159, %dma_start3A_160, %dma_start3A_161] : memref<4x200x64xf32, #tpu.memory_space<vmem>> -> memref<1x40x64xf32, #tpu.memory_space<vmem>>
    %dma_start3A_163 = tpu.memref_squeeze %dma_start3A_162 : memref<1x40x64xf32, #tpu.memory_space<vmem>> -> memref<40x64xf32, #tpu.memory_space<vmem>>
    %dma_start3A_164 = arith.constant 120 : i32
    %dma_start3A_165 = tpu.memref_slice %arg5[%dma_start3A_158, %dma_start3A_164] : memref<128x200xi32, #tpu.memory_space<vmem>> -> memref<1x40xi32, #tpu.memory_space<vmem>>
    %dma_start3A_166 = tpu.memref_squeeze %dma_start3A_165 : memref<1x40xi32, #tpu.memory_space<vmem>> -> memref<40xi32, #tpu.memory_space<vmem>>
    %dma_start3A_167 = arith.constant 0 : i32
    %dma_start3A_168 = arith.constant 0 : i32
    %dma_start3A_169 = tpu.memref_slice %arg2[%dma_start3A_167, %dma_start3A_168] : memref<1000000x64xf32, #tpu.memory_space<hbm>> -> memref<1000000x64xf32, #tpu.memory_space<hbm>>
    tpu.enqueue_indirect_dma source(%dma_start3A_169 : memref<1000000x64xf32, #tpu.memory_space<hbm>>) target(%dma_start3A_163 : memref<40x64xf32, #tpu.memory_space<vmem>>) offsets(%dma_start3A_166 : memref<40xi32, #tpu.memory_space<vmem>>) semaphore(%arg9 : memref<!tpu.dma_semaphore, #tpu.memory_space<semaphore_mem>>)
    %dma_start3A_170 = arith.constant 2 : i32
    %dma_start3A_171 = arith.constant 2 : i32
    %dma_start3A_172 = arith.constant 160 : i32
    %dma_start3A_173 = arith.constant 0 : i32
    %dma_start3A_174 = tpu.memref_slice %arg6[%dma_start3A_171, %dma_start3A_172, %dma_start3A_173] : memref<4x200x64xf32, #tpu.memory_space<vmem>> -> memref<1x40x64xf32, #tpu.memory_space<vmem>>
    %dma_start3A_175 = tpu.memref_squeeze %dma_start3A_174 : memref<1x40x64xf32, #tpu.memory_space<vmem>> -> memref<40x64xf32, #tpu.memory_space<vmem>>
    %dma_start3A_176 = arith.constant 160 : i32
    %dma_start3A_177 = tpu.memref_slice %arg5[%dma_start3A_170, %dma_start3A_176] : memref<128x200xi32, #tpu.memory_space<vmem>> -> memref<1x40xi32, #tpu.memory_space<vmem>>
    %dma_start3A_178 = tpu.memref_squeeze %dma_start3A_177 : memref<1x40xi32, #tpu.memory_space<vmem>> -> memref<40xi32, #tpu.memory_space<vmem>>
    %dma_start3A_179 = arith.constant 0 : i32
    %dma_start3A_180 = arith.constant 0 : i32
    %dma_start3A_181 = tpu.memref_slice %arg2[%dma_start3A_179, %dma_start3A_180] : memref<1000000x64xf32, #tpu.memory_space<hbm>> -> memref<1000000x64xf32, #tpu.memory_space<hbm>>
    tpu.enqueue_indirect_dma source(%dma_start3A_181 : memref<1000000x64xf32, #tpu.memory_space<hbm>>) target(%dma_start3A_175 : memref<40x64xf32, #tpu.memory_space<vmem>>) offsets(%dma_start3A_178 : memref<40xi32, #tpu.memory_space<vmem>>) semaphore(%arg9 : memref<!tpu.dma_semaphore, #tpu.memory_space<semaphore_mem>>)
    %dma_start3A_182 = arith.constant 3 : i32
    %dma_start3A_183 = arith.constant 3 : i32
    %dma_start3A_184 = arith.constant 0 : i32
    %dma_start3A_185 = arith.constant 0 : i32
    %dma_start3A_186 = tpu.memref_slice %arg6[%dma_start3A_183, %dma_start3A_184, %dma_start3A_185] : memref<4x200x64xf32, #tpu.memory_space<vmem>> -> memref<1x40x64xf32, #tpu.memory_space<vmem>>
    %dma_start3A_187 = tpu.memref_squeeze %dma_start3A_186 : memref<1x40x64xf32, #tpu.memory_space<vmem>> -> memref<40x64xf32, #tpu.memory_space<vmem>>
    %dma_start3A_188 = arith.constant 0 : i32
    %dma_start3A_189 = tpu.memref_slice %arg5[%dma_start3A_182, %dma_start3A_188] : memref<128x200xi32, #tpu.memory_space<vmem>> -> memref<1x40xi32, #tpu.memory_space<vmem>>
    %dma_start3A_190 = tpu.memref_squeeze %dma_start3A_189 : memref<1x40xi32, #tpu.memory_space<vmem>> -> memref<40xi32, #tpu.memory_space<vmem>>
    %dma_start3A_191 = arith.constant 0 : i32
    %dma_start3A_192 = arith.constant 0 : i32
    %dma_start3A_193 = tpu.memref_slice %arg2[%dma_start3A_191, %dma_start3A_192] : memref<1000000x64xf32, #tpu.memory_space<hbm>> -> memref<1000000x64xf32, #tpu.memory_space<hbm>>
    tpu.enqueue_indirect_dma source(%dma_start3A_193 : memref<1000000x64xf32, #tpu.memory_space<hbm>>) target(%dma_start3A_187 : memref<40x64xf32, #tpu.memory_space<vmem>>) offsets(%dma_start3A_190 : memref<40xi32, #tpu.memory_space<vmem>>) semaphore(%arg10 : memref<!tpu.dma_semaphore, #tpu.memory_space<semaphore_mem>>)
    %dma_start3A_194 = arith.constant 3 : i32
    %dma_start3A_195 = arith.constant 3 : i32
    %dma_start3A_196 = arith.constant 40 : i32
    %dma_start3A_197 = arith.constant 0 : i32
    %dma_start3A_198 = tpu.memref_slice %arg6[%dma_start3A_195, %dma_start3A_196, %dma_start3A_197] : memref<4x200x64xf32, #tpu.memory_space<vmem>> -> memref<1x40x64xf32, #tpu.memory_space<vmem>>
    %dma_start3A_199 = tpu.memref_squeeze %dma_start3A_198 : memref<1x40x64xf32, #tpu.memory_space<vmem>> -> memref<40x64xf32, #tpu.memory_space<vmem>>
    %dma_start3A_200 = arith.constant 40 : i32
    %dma_start3A_201 = tpu.memref_slice %arg5[%dma_start3A_194, %dma_start3A_200] : memref<128x200xi32, #tpu.memory_space<vmem>> -> memref<1x40xi32, #tpu.memory_space<vmem>>
    %dma_start3A_202 = tpu.memref_squeeze %dma_start3A_201 : memref<1x40xi32, #tpu.memory_space<vmem>> -> memref<40xi32, #tpu.memory_space<vmem>>
    %dma_start3A_203 = arith.constant 0 : i32
    %dma_start3A_204 = arith.constant 0 : i32
    %dma_start3A_205 = tpu.memref_slice %arg2[%dma_start3A_203, %dma_start3A_204] : memref<1000000x64xf32, #tpu.memory_space<hbm>> -> memref<1000000x64xf32, #tpu.memory_space<hbm>>
    tpu.enqueue_indirect_dma source(%dma_start3A_205 : memref<1000000x64xf32, #tpu.memory_space<hbm>>) target(%dma_start3A_199 : memref<40x64xf32, #tpu.memory_space<vmem>>) offsets(%dma_start3A_202 : memref<40xi32, #tpu.memory_space<vmem>>) semaphore(%arg10 : memref<!tpu.dma_semaphore, #tpu.memory_space<semaphore_mem>>)
    %dma_start3A_206 = arith.constant 3 : i32
    %dma_start3A_207 = arith.constant 3 : i32
    %dma_start3A_208 = arith.constant 80 : i32
    %dma_start3A_209 = arith.constant 0 : i32
    %dma_start3A_210 = tpu.memref_slice %arg6[%dma_start3A_207, %dma_start3A_208, %dma_start3A_209] : memref<4x200x64xf32, #tpu.memory_space<vmem>> -> memref<1x40x64xf32, #tpu.memory_space<vmem>>
    %dma_start3A_211 = tpu.memref_squeeze %dma_start3A_210 : memref<1x40x64xf32, #tpu.memory_space<vmem>> -> memref<40x64xf32, #tpu.memory_space<vmem>>
    %dma_start3A_212 = arith.constant 80 : i32
    %dma_start3A_213 = tpu.memref_slice %arg5[%dma_start3A_206, %dma_start3A_212] : memref<128x200xi32, #tpu.memory_space<vmem>> -> memref<1x40xi32, #tpu.memory_space<vmem>>
    %dma_start3A_214 = tpu.memref_squeeze %dma_start3A_213 : memref<1x40xi32, #tpu.memory_space<vmem>> -> memref<40xi32, #tpu.memory_space<vmem>>
    %dma_start3A_215 = arith.constant 0 : i32
    %dma_start3A_216 = arith.constant 0 : i32
    %dma_start3A_217 = tpu.memref_slice %arg2[%dma_start3A_215, %dma_start3A_216] : memref<1000000x64xf32, #tpu.memory_space<hbm>> -> memref<1000000x64xf32, #tpu.memory_space<hbm>>
    tpu.enqueue_indirect_dma source(%dma_start3A_217 : memref<1000000x64xf32, #tpu.memory_space<hbm>>) target(%dma_start3A_211 : memref<40x64xf32, #tpu.memory_space<vmem>>) offsets(%dma_start3A_214 : memref<40xi32, #tpu.memory_space<vmem>>) semaphore(%arg10 : memref<!tpu.dma_semaphore, #tpu.memory_space<semaphore_mem>>)
    %dma_start3A_218 = arith.constant 3 : i32
    %dma_start3A_219 = arith.constant 3 : i32
    %dma_start3A_220 = arith.constant 120 : i32
    %dma_start3A_221 = arith.constant 0 : i32
    %dma_start3A_222 = tpu.memref_slice %arg6[%dma_start3A_219, %dma_start3A_220, %dma_start3A_221] : memref<4x200x64xf32, #tpu.memory_space<vmem>> -> memref<1x40x64xf32, #tpu.memory_space<vmem>>
    %dma_start3A_223 = tpu.memref_squeeze %dma_start3A_222 : memref<1x40x64xf32, #tpu.memory_space<vmem>> -> memref<40x64xf32, #tpu.memory_space<vmem>>
    %dma_start3A_224 = arith.constant 120 : i32
    %dma_start3A_225 = tpu.memref_slice %arg5[%dma_start3A_218, %dma_start3A_224] : memref<128x200xi32, #tpu.memory_space<vmem>> -> memref<1x40xi32, #tpu.memory_space<vmem>>
    %dma_start3A_226 = tpu.memref_squeeze %dma_start3A_225 : memref<1x40xi32, #tpu.memory_space<vmem>> -> memref<40xi32, #tpu.memory_space<vmem>>
    %dma_start3A_227 = arith.constant 0 : i32
    %dma_start3A_228 = arith.constant 0 : i32
    %dma_start3A_229 = tpu.memref_slice %arg2[%dma_start3A_227, %dma_start3A_228] : memref<1000000x64xf32, #tpu.memory_space<hbm>> -> memref<1000000x64xf32, #tpu.memory_space<hbm>>
    tpu.enqueue_indirect_dma source(%dma_start3A_229 : memref<1000000x64xf32, #tpu.memory_space<hbm>>) target(%dma_start3A_223 : memref<40x64xf32, #tpu.memory_space<vmem>>) offsets(%dma_start3A_226 : memref<40xi32, #tpu.memory_space<vmem>>) semaphore(%arg10 : memref<!tpu.dma_semaphore, #tpu.memory_space<semaphore_mem>>)
    %dma_start3A_230 = arith.constant 3 : i32
    %dma_start3A_231 = arith.constant 3 : i32
    %dma_start3A_232 = arith.constant 160 : i32
    %dma_start3A_233 = arith.constant 0 : i32
    %dma_start3A_234 = tpu.memref_slice %arg6[%dma_start3A_231, %dma_start3A_232, %dma_start3A_233] : memref<4x200x64xf32, #tpu.memory_space<vmem>> -> memref<1x40x64xf32, #tpu.memory_space<vmem>>
    %dma_start3A_235 = tpu.memref_squeeze %dma_start3A_234 : memref<1x40x64xf32, #tpu.memory_space<vmem>> -> memref<40x64xf32, #tpu.memory_space<vmem>>
    %dma_start3A_236 = arith.constant 160 : i32
    %dma_start3A_237 = tpu.memref_slice %arg5[%dma_start3A_230, %dma_start3A_236] : memref<128x200xi32, #tpu.memory_space<vmem>> -> memref<1x40xi32, #tpu.memory_space<vmem>>
    %dma_start3A_238 = tpu.memref_squeeze %dma_start3A_237 : memref<1x40xi32, #tpu.memory_space<vmem>> -> memref<40xi32, #tpu.memory_space<vmem>>
    %dma_start3A_239 = arith.constant 0 : i32
    %dma_start3A_240 = arith.constant 0 : i32
    %dma_start3A_241 = tpu.memref_slice %arg2[%dma_start3A_239, %dma_start3A_240] : memref<1000000x64xf32, #tpu.memory_space<hbm>> -> memref<1000000x64xf32, #tpu.memory_space<hbm>>
    tpu.enqueue_indirect_dma source(%dma_start3A_241 : memref<1000000x64xf32, #tpu.memory_space<hbm>>) target(%dma_start3A_235 : memref<40x64xf32, #tpu.memory_space<vmem>>) offsets(%dma_start3A_238 : memref<40xi32, #tpu.memory_space<vmem>>) semaphore(%arg10 : memref<!tpu.dma_semaphore, #tpu.memory_space<semaphore_mem>>)
    %scan3A = arith.constant 0 : i32
    %scan3A_242 = arith.constant 0 : i32
    %scan3A_243 = arith.constant 32 : i32
    %scan3A_244 = arith.addi %scan3A_242, %scan3A_243 : i32
    %scan3A_245 = arith.constant 1 : i32
    scf.for %scan3A_247 = %scan3A_242 to %scan3A_244 step %scan3A_245  : i32 {
      %mul3A_248 = arith.constant 4 : i32
      %mul3A_249 = arith.muli %scan3A_247, %mul3A_248 : i32
      %add3A_250 = arith.constant 0 : i32
      %add3A_251 = arith.addi %mul3A_249, %add3A_250 : i32
      %add3A_252 = arith.addi %mul3A_2, %add3A_251 : i32
      %dma_wait3A = arith.constant 0 : i32
      %dma_wait3A_253 = arith.constant 0 : i32
      %dma_wait3A_254 = arith.constant 0 : i32
      %dma_wait3A_255 = tpu.memref_slice %arg6[%dma_wait3A, %dma_wait3A_253, %dma_wait3A_254] : memref<4x200x64xf32, #tpu.memory_space<vmem>> -> memref<1x200x64xf32, #tpu.memory_space<vmem>>
      %dma_wait3A_256 = tpu.memref_squeeze %dma_wait3A_255 : memref<1x200x64xf32, #tpu.memory_space<vmem>> -> memref<200x64xf32, #tpu.memory_space<vmem>>
      %dma_wait3A_257 = arith.constant 0 : i32
      %dma_wait3A_258 = arith.constant 0 : i32
      %dma_wait3A_259 = tpu.memref_slice %arg4[%add3A_252, %dma_wait3A_257, %dma_wait3A_258] : memref<4096x200x64xf32, #tpu.memory_space<hbm>> -> memref<1x200x64xf32, #tpu.memory_space<hbm>>
      %dma_wait3A_260 = tpu.memref_squeeze %dma_wait3A_259 : memref<1x200x64xf32, #tpu.memory_space<hbm>> -> memref<200x64xf32, #tpu.memory_space<hbm>>
      %dma_wait3A_261 = arith.constant 0 : i32
      %dma_wait3A_262 = arith.constant 0 : i32
      %dma_wait3A_263 = tpu.memref_slice %arg6[%dma_wait3A, %dma_wait3A_261, %dma_wait3A_262] : memref<4x200x64xf32, #tpu.memory_space<vmem>> -> memref<1x200x64xf32, #tpu.memory_space<vmem>>
      %dma_wait3A_264 = tpu.memref_squeeze %dma_wait3A_263 : memref<1x200x64xf32, #tpu.memory_space<vmem>> -> memref<200x64xf32, #tpu.memory_space<vmem>>
      %dma_wait3A_265 = arith.constant 0 : i32
      %dma_wait3A_266 = arith.constant 0 : i32
      %dma_wait3A_267 = tpu.memref_slice %arg4[%add3A_252, %dma_wait3A_265, %dma_wait3A_266] : memref<4096x200x64xf32, #tpu.memory_space<hbm>> -> memref<1x200x64xf32, #tpu.memory_space<hbm>>
      %dma_wait3A_268 = tpu.memref_squeeze %dma_wait3A_267 : memref<1x200x64xf32, #tpu.memory_space<hbm>> -> memref<200x64xf32, #tpu.memory_space<hbm>>
      tpu.wait_dma2 semaphore(%arg7 : memref<!tpu.dma_semaphore, #tpu.memory_space<semaphore_mem>>) src(%dma_wait3A_268 : memref<200x64xf32, #tpu.memory_space<hbm>>) dst(%dma_wait3A_264 : memref<200x64xf32, #tpu.memory_space<vmem>>)
      %run_scoped3A = arith.constant 0 : i32
      "tpu.region"() ({
        %run_scoped3A_363 = tpu.sem_alloc : memref<!tpu.dma_semaphore, #tpu.memory_space<semaphore_mem>>
        %dma_start3A_364 = arith.constant 0 : i32
        %dma_start3A_365 = arith.constant 0 : i32
        %dma_start3A_366 = tpu.memref_slice %arg6[%run_scoped3A, %dma_start3A_364, %dma_start3A_365] : memref<4x200x64xf32, #tpu.memory_space<vmem>> -> memref<1x200x64xf32, #tpu.memory_space<vmem>>
        %dma_start3A_367 = tpu.memref_squeeze %dma_start3A_366 : memref<1x200x64xf32, #tpu.memory_space<vmem>> -> memref<200x64xf32, #tpu.memory_space<vmem>>
        %dma_start3A_368 = arith.constant 0 : i32
        %dma_start3A_369 = arith.constant 0 : i32
        %dma_start3A_370 = tpu.memref_slice %arg4[%add3A_252, %dma_start3A_368, %dma_start3A_369] : memref<4096x200x64xf32, #tpu.memory_space<hbm>> -> memref<1x200x64xf32, #tpu.memory_space<hbm>>
        %dma_start3A_371 = tpu.memref_squeeze %dma_start3A_370 : memref<1x200x64xf32, #tpu.memory_space<hbm>> -> memref<200x64xf32, #tpu.memory_space<hbm>>
        %dma_start3A_372 = arith.constant 0 : i32
        %dma_start3A_373 = arith.constant 0 : i32
        %dma_start3A_374 = tpu.memref_slice %arg4[%add3A_252, %dma_start3A_372, %dma_start3A_373] : memref<4096x200x64xf32, #tpu.memory_space<hbm>> -> memref<1x200x64xf32, #tpu.memory_space<hbm>>
        %dma_start3A_375 = tpu.memref_squeeze %dma_start3A_374 : memref<1x200x64xf32, #tpu.memory_space<hbm>> -> memref<200x64xf32, #tpu.memory_space<hbm>>
        %dma_start3A_376 = arith.constant 0 : i32
        %dma_start3A_377 = arith.constant 0 : i32
        %dma_start3A_378 = tpu.memref_slice %arg6[%run_scoped3A, %dma_start3A_376, %dma_start3A_377] : memref<4x200x64xf32, #tpu.memory_space<vmem>> -> memref<1x200x64xf32, #tpu.memory_space<vmem>>
        %dma_start3A_379 = tpu.memref_squeeze %dma_start3A_378 : memref<1x200x64xf32, #tpu.memory_space<vmem>> -> memref<200x64xf32, #tpu.memory_space<vmem>>
        tpu.enqueue_dma source(%dma_start3A_379 : memref<200x64xf32, #tpu.memory_space<vmem>>) target(%dma_start3A_375 : memref<200x64xf32, #tpu.memory_space<hbm>>) target_semaphore(%run_scoped3A_363 : memref<!tpu.dma_semaphore, #tpu.memory_space<semaphore_mem>>)
        %dma_wait3A_380 = arith.constant 0 : i32
        %dma_wait3A_381 = arith.constant 0 : i32
        %dma_wait3A_382 = tpu.memref_slice %arg6[%run_scoped3A, %dma_wait3A_380, %dma_wait3A_381] : memref<4x200x64xf32, #tpu.memory_space<vmem>> -> memref<1x200x64xf32, #tpu.memory_space<vmem>>
        %dma_wait3A_383 = tpu.memref_squeeze %dma_wait3A_382 : memref<1x200x64xf32, #tpu.memory_space<vmem>> -> memref<200x64xf32, #tpu.memory_space<vmem>>
        %dma_wait3A_384 = arith.constant 0 : i32
        %dma_wait3A_385 = arith.constant 0 : i32
        %dma_wait3A_386 = tpu.memref_slice %arg4[%add3A_252, %dma_wait3A_384, %dma_wait3A_385] : memref<4096x200x64xf32, #tpu.memory_space<hbm>> -> memref<1x200x64xf32, #tpu.memory_space<hbm>>
        %dma_wait3A_387 = tpu.memref_squeeze %dma_wait3A_386 : memref<1x200x64xf32, #tpu.memory_space<hbm>> -> memref<200x64xf32, #tpu.memory_space<hbm>>
        %dma_wait3A_388 = arith.constant 0 : i32
        %dma_wait3A_389 = arith.constant 0 : i32
        %dma_wait3A_390 = tpu.memref_slice %arg4[%add3A_252, %dma_wait3A_388, %dma_wait3A_389] : memref<4096x200x64xf32, #tpu.memory_space<hbm>> -> memref<1x200x64xf32, #tpu.memory_space<hbm>>
        %dma_wait3A_391 = tpu.memref_squeeze %dma_wait3A_390 : memref<1x200x64xf32, #tpu.memory_space<hbm>> -> memref<200x64xf32, #tpu.memory_space<hbm>>
        %dma_wait3A_392 = arith.constant 0 : i32
        %dma_wait3A_393 = arith.constant 0 : i32
        %dma_wait3A_394 = tpu.memref_slice %arg6[%run_scoped3A, %dma_wait3A_392, %dma_wait3A_393] : memref<4x200x64xf32, #tpu.memory_space<vmem>> -> memref<1x200x64xf32, #tpu.memory_space<vmem>>
        %dma_wait3A_395 = tpu.memref_squeeze %dma_wait3A_394 : memref<1x200x64xf32, #tpu.memory_space<vmem>> -> memref<200x64xf32, #tpu.memory_space<vmem>>
        tpu.wait_dma2 semaphore(%run_scoped3A_363 : memref<!tpu.dma_semaphore, #tpu.memory_space<semaphore_mem>>) src(%dma_wait3A_395 : memref<200x64xf32, #tpu.memory_space<vmem>>) dst(%dma_wait3A_391 : memref<200x64xf32, #tpu.memory_space<hbm>>)
        tpu.yield
      }) : () -> ()
      %add3A_269 = arith.constant 4 : i32
      %add3A_270 = arith.addi %add3A_251, %add3A_269 : i32
      %lt3A = arith.constant 128 : i32
      %lt3A_271 = arith.cmpi slt, %add3A_270, %lt3A : i32
      %convert_element_type3A = arith.extui %lt3A_271 : i1 to i32
      %cond3A = arith.constant 0 : i32
      %cond3A_272 = arith.cmpi ne, %convert_element_type3A, %cond3A : i32
      scf.if %cond3A_272 {
        %dma_start3A_363 = arith.constant 0 : i32
        %dma_start3A_364 = arith.constant 0 : i32
        %dma_start3A_365 = arith.constant 0 : i32
        %dma_start3A_366 = tpu.memref_slice %arg6[%dma_start3A_363, %dma_start3A_364, %dma_start3A_365] : memref<4x200x64xf32, #tpu.memory_space<vmem>> -> memref<1x40x64xf32, #tpu.memory_space<vmem>>
        %dma_start3A_367 = tpu.memref_squeeze %dma_start3A_366 : memref<1x40x64xf32, #tpu.memory_space<vmem>> -> memref<40x64xf32, #tpu.memory_space<vmem>>
        %dma_start3A_368 = arith.constant 0 : i32
        %dma_start3A_369 = tpu.memref_slice %arg5[%add3A_270, %dma_start3A_368] : memref<128x200xi32, #tpu.memory_space<vmem>> -> memref<1x40xi32, #tpu.memory_space<vmem>>
        %dma_start3A_370 = tpu.memref_squeeze %dma_start3A_369 : memref<1x40xi32, #tpu.memory_space<vmem>> -> memref<40xi32, #tpu.memory_space<vmem>>
        %dma_start3A_371 = arith.constant 0 : i32
        %dma_start3A_372 = arith.constant 0 : i32
        %dma_start3A_373 = tpu.memref_slice %arg2[%dma_start3A_371, %dma_start3A_372] : memref<1000000x64xf32, #tpu.memory_space<hbm>> -> memref<1000000x64xf32, #tpu.memory_space<hbm>>
        tpu.enqueue_indirect_dma source(%dma_start3A_373 : memref<1000000x64xf32, #tpu.memory_space<hbm>>) target(%dma_start3A_367 : memref<40x64xf32, #tpu.memory_space<vmem>>) offsets(%dma_start3A_370 : memref<40xi32, #tpu.memory_space<vmem>>) semaphore(%arg7 : memref<!tpu.dma_semaphore, #tpu.memory_space<semaphore_mem>>)
        %dma_start3A_374 = arith.constant 0 : i32
        %dma_start3A_375 = arith.constant 40 : i32
        %dma_start3A_376 = arith.constant 0 : i32
        %dma_start3A_377 = tpu.memref_slice %arg6[%dma_start3A_374, %dma_start3A_375, %dma_start3A_376] : memref<4x200x64xf32, #tpu.memory_space<vmem>> -> memref<1x40x64xf32, #tpu.memory_space<vmem>>
        %dma_start3A_378 = tpu.memref_squeeze %dma_start3A_377 : memref<1x40x64xf32, #tpu.memory_space<vmem>> -> memref<40x64xf32, #tpu.memory_space<vmem>>
        %dma_start3A_379 = arith.constant 40 : i32
        %dma_start3A_380 = tpu.memref_slice %arg5[%add3A_270, %dma_start3A_379] : memref<128x200xi32, #tpu.memory_space<vmem>> -> memref<1x40xi32, #tpu.memory_space<vmem>>
        %dma_start3A_381 = tpu.memref_squeeze %dma_start3A_380 : memref<1x40xi32, #tpu.memory_space<vmem>> -> memref<40xi32, #tpu.memory_space<vmem>>
        %dma_start3A_382 = arith.constant 0 : i32
        %dma_start3A_383 = arith.constant 0 : i32
        %dma_start3A_384 = tpu.memref_slice %arg2[%dma_start3A_382, %dma_start3A_383] : memref<1000000x64xf32, #tpu.memory_space<hbm>> -> memref<1000000x64xf32, #tpu.memory_space<hbm>>
        tpu.enqueue_indirect_dma source(%dma_start3A_384 : memref<1000000x64xf32, #tpu.memory_space<hbm>>) target(%dma_start3A_378 : memref<40x64xf32, #tpu.memory_space<vmem>>) offsets(%dma_start3A_381 : memref<40xi32, #tpu.memory_space<vmem>>) semaphore(%arg7 : memref<!tpu.dma_semaphore, #tpu.memory_space<semaphore_mem>>)
        %dma_start3A_385 = arith.constant 0 : i32
        %dma_start3A_386 = arith.constant 80 : i32
        %dma_start3A_387 = arith.constant 0 : i32
        %dma_start3A_388 = tpu.memref_slice %arg6[%dma_start3A_385, %dma_start3A_386, %dma_start3A_387] : memref<4x200x64xf32, #tpu.memory_space<vmem>> -> memref<1x40x64xf32, #tpu.memory_space<vmem>>
        %dma_start3A_389 = tpu.memref_squeeze %dma_start3A_388 : memref<1x40x64xf32, #tpu.memory_space<vmem>> -> memref<40x64xf32, #tpu.memory_space<vmem>>
        %dma_start3A_390 = arith.constant 80 : i32
        %dma_start3A_391 = tpu.memref_slice %arg5[%add3A_270, %dma_start3A_390] : memref<128x200xi32, #tpu.memory_space<vmem>> -> memref<1x40xi32, #tpu.memory_space<vmem>>
        %dma_start3A_392 = tpu.memref_squeeze %dma_start3A_391 : memref<1x40xi32, #tpu.memory_space<vmem>> -> memref<40xi32, #tpu.memory_space<vmem>>
        %dma_start3A_393 = arith.constant 0 : i32
        %dma_start3A_394 = arith.constant 0 : i32
        %dma_start3A_395 = tpu.memref_slice %arg2[%dma_start3A_393, %dma_start3A_394] : memref<1000000x64xf32, #tpu.memory_space<hbm>> -> memref<1000000x64xf32, #tpu.memory_space<hbm>>
        tpu.enqueue_indirect_dma source(%dma_start3A_395 : memref<1000000x64xf32, #tpu.memory_space<hbm>>) target(%dma_start3A_389 : memref<40x64xf32, #tpu.memory_space<vmem>>) offsets(%dma_start3A_392 : memref<40xi32, #tpu.memory_space<vmem>>) semaphore(%arg7 : memref<!tpu.dma_semaphore, #tpu.memory_space<semaphore_mem>>)
        %dma_start3A_396 = arith.constant 0 : i32
        %dma_start3A_397 = arith.constant 120 : i32
        %dma_start3A_398 = arith.constant 0 : i32
        %dma_start3A_399 = tpu.memref_slice %arg6[%dma_start3A_396, %dma_start3A_397, %dma_start3A_398] : memref<4x200x64xf32, #tpu.memory_space<vmem>> -> memref<1x40x64xf32, #tpu.memory_space<vmem>>
        %dma_start3A_400 = tpu.memref_squeeze %dma_start3A_399 : memref<1x40x64xf32, #tpu.memory_space<vmem>> -> memref<40x64xf32, #tpu.memory_space<vmem>>
        %dma_start3A_401 = arith.constant 120 : i32
        %dma_start3A_402 = tpu.memref_slice %arg5[%add3A_270, %dma_start3A_401] : memref<128x200xi32, #tpu.memory_space<vmem>> -> memref<1x40xi32, #tpu.memory_space<vmem>>
        %dma_start3A_403 = tpu.memref_squeeze %dma_start3A_402 : memref<1x40xi32, #tpu.memory_space<vmem>> -> memref<40xi32, #tpu.memory_space<vmem>>
        %dma_start3A_404 = arith.constant 0 : i32
        %dma_start3A_405 = arith.constant 0 : i32
        %dma_start3A_406 = tpu.memref_slice %arg2[%dma_start3A_404, %dma_start3A_405] : memref<1000000x64xf32, #tpu.memory_space<hbm>> -> memref<1000000x64xf32, #tpu.memory_space<hbm>>
        tpu.enqueue_indirect_dma source(%dma_start3A_406 : memref<1000000x64xf32, #tpu.memory_space<hbm>>) target(%dma_start3A_400 : memref<40x64xf32, #tpu.memory_space<vmem>>) offsets(%dma_start3A_403 : memref<40xi32, #tpu.memory_space<vmem>>) semaphore(%arg7 : memref<!tpu.dma_semaphore, #tpu.memory_space<semaphore_mem>>)
        %dma_start3A_407 = arith.constant 0 : i32
        %dma_start3A_408 = arith.constant 160 : i32
        %dma_start3A_409 = arith.constant 0 : i32
        %dma_start3A_410 = tpu.memref_slice %arg6[%dma_start3A_407, %dma_start3A_408, %dma_start3A_409] : memref<4x200x64xf32, #tpu.memory_space<vmem>> -> memref<1x40x64xf32, #tpu.memory_space<vmem>>
        %dma_start3A_411 = tpu.memref_squeeze %dma_start3A_410 : memref<1x40x64xf32, #tpu.memory_space<vmem>> -> memref<40x64xf32, #tpu.memory_space<vmem>>
        %dma_start3A_412 = arith.constant 160 : i32
        %dma_start3A_413 = tpu.memref_slice %arg5[%add3A_270, %dma_start3A_412] : memref<128x200xi32, #tpu.memory_space<vmem>> -> memref<1x40xi32, #tpu.memory_space<vmem>>
        %dma_start3A_414 = tpu.memref_squeeze %dma_start3A_413 : memref<1x40xi32, #tpu.memory_space<vmem>> -> memref<40xi32, #tpu.memory_space<vmem>>
        %dma_start3A_415 = arith.constant 0 : i32
        %dma_start3A_416 = arith.constant 0 : i32
        %dma_start3A_417 = tpu.memref_slice %arg2[%dma_start3A_415, %dma_start3A_416] : memref<1000000x64xf32, #tpu.memory_space<hbm>> -> memref<1000000x64xf32, #tpu.memory_space<hbm>>
        tpu.enqueue_indirect_dma source(%dma_start3A_417 : memref<1000000x64xf32, #tpu.memory_space<hbm>>) target(%dma_start3A_411 : memref<40x64xf32, #tpu.memory_space<vmem>>) offsets(%dma_start3A_414 : memref<40xi32, #tpu.memory_space<vmem>>) semaphore(%arg7 : memref<!tpu.dma_semaphore, #tpu.memory_space<semaphore_mem>>)
      } else {
      }
      %mul3A_273 = arith.constant 4 : i32
      %mul3A_274 = arith.muli %scan3A_247, %mul3A_273 : i32
      %add3A_275 = arith.constant 1 : i32
      %add3A_276 = arith.addi %mul3A_274, %add3A_275 : i32
      %add3A_277 = arith.addi %mul3A_2, %add3A_276 : i32
      %dma_wait3A_278 = arith.constant 1 : i32
      %dma_wait3A_279 = arith.constant 0 : i32
      %dma_wait3A_280 = arith.constant 0 : i32
      %dma_wait3A_281 = tpu.memref_slice %arg6[%dma_wait3A_278, %dma_wait3A_279, %dma_wait3A_280] : memref<4x200x64xf32, #tpu.memory_space<vmem>> -> memref<1x200x64xf32, #tpu.memory_space<vmem>>
      %dma_wait3A_282 = tpu.memref_squeeze %dma_wait3A_281 : memref<1x200x64xf32, #tpu.memory_space<vmem>> -> memref<200x64xf32, #tpu.memory_space<vmem>>
      %dma_wait3A_283 = arith.constant 0 : i32
      %dma_wait3A_284 = arith.constant 0 : i32
      %dma_wait3A_285 = tpu.memref_slice %arg4[%add3A_277, %dma_wait3A_283, %dma_wait3A_284] : memref<4096x200x64xf32, #tpu.memory_space<hbm>> -> memref<1x200x64xf32, #tpu.memory_space<hbm>>
      %dma_wait3A_286 = tpu.memref_squeeze %dma_wait3A_285 : memref<1x200x64xf32, #tpu.memory_space<hbm>> -> memref<200x64xf32, #tpu.memory_space<hbm>>
      %dma_wait3A_287 = arith.constant 0 : i32
      %dma_wait3A_288 = arith.constant 0 : i32
      %dma_wait3A_289 = tpu.memref_slice %arg6[%dma_wait3A_278, %dma_wait3A_287, %dma_wait3A_288] : memref<4x200x64xf32, #tpu.memory_space<vmem>> -> memref<1x200x64xf32, #tpu.memory_space<vmem>>
      %dma_wait3A_290 = tpu.memref_squeeze %dma_wait3A_289 : memref<1x200x64xf32, #tpu.memory_space<vmem>> -> memref<200x64xf32, #tpu.memory_space<vmem>>
      %dma_wait3A_291 = arith.constant 0 : i32
      %dma_wait3A_292 = arith.constant 0 : i32
      %dma_wait3A_293 = tpu.memref_slice %arg4[%add3A_277, %dma_wait3A_291, %dma_wait3A_292] : memref<4096x200x64xf32, #tpu.memory_space<hbm>> -> memref<1x200x64xf32, #tpu.memory_space<hbm>>
      %dma_wait3A_294 = tpu.memref_squeeze %dma_wait3A_293 : memref<1x200x64xf32, #tpu.memory_space<hbm>> -> memref<200x64xf32, #tpu.memory_space<hbm>>
      tpu.wait_dma2 semaphore(%arg8 : memref<!tpu.dma_semaphore, #tpu.memory_space<semaphore_mem>>) src(%dma_wait3A_294 : memref<200x64xf32, #tpu.memory_space<hbm>>) dst(%dma_wait3A_290 : memref<200x64xf32, #tpu.memory_space<vmem>>)
      %run_scoped3A_295 = arith.constant 1 : i32
      "tpu.region"() ({
        %run_scoped3A_363 = tpu.sem_alloc : memref<!tpu.dma_semaphore, #tpu.memory_space<semaphore_mem>>
        %dma_start3A_364 = arith.constant 0 : i32
        %dma_start3A_365 = arith.constant 0 : i32
        %dma_start3A_366 = tpu.memref_slice %arg6[%run_scoped3A_295, %dma_start3A_364, %dma_start3A_365] : memref<4x200x64xf32, #tpu.memory_space<vmem>> -> memref<1x200x64xf32, #tpu.memory_space<vmem>>
        %dma_start3A_367 = tpu.memref_squeeze %dma_start3A_366 : memref<1x200x64xf32, #tpu.memory_space<vmem>> -> memref<200x64xf32, #tpu.memory_space<vmem>>
        %dma_start3A_368 = arith.constant 0 : i32
        %dma_start3A_369 = arith.constant 0 : i32
        %dma_start3A_370 = tpu.memref_slice %arg4[%add3A_277, %dma_start3A_368, %dma_start3A_369] : memref<4096x200x64xf32, #tpu.memory_space<hbm>> -> memref<1x200x64xf32, #tpu.memory_space<hbm>>
        %dma_start3A_371 = tpu.memref_squeeze %dma_start3A_370 : memref<1x200x64xf32, #tpu.memory_space<hbm>> -> memref<200x64xf32, #tpu.memory_space<hbm>>
        %dma_start3A_372 = arith.constant 0 : i32
        %dma_start3A_373 = arith.constant 0 : i32
        %dma_start3A_374 = tpu.memref_slice %arg4[%add3A_277, %dma_start3A_372, %dma_start3A_373] : memref<4096x200x64xf32, #tpu.memory_space<hbm>> -> memref<1x200x64xf32, #tpu.memory_space<hbm>>
        %dma_start3A_375 = tpu.memref_squeeze %dma_start3A_374 : memref<1x200x64xf32, #tpu.memory_space<hbm>> -> memref<200x64xf32, #tpu.memory_space<hbm>>
        %dma_start3A_376 = arith.constant 0 : i32
        %dma_start3A_377 = arith.constant 0 : i32
        %dma_start3A_378 = tpu.memref_slice %arg6[%run_scoped3A_295, %dma_start3A_376, %dma_start3A_377] : memref<4x200x64xf32, #tpu.memory_space<vmem>> -> memref<1x200x64xf32, #tpu.memory_space<vmem>>
        %dma_start3A_379 = tpu.memref_squeeze %dma_start3A_378 : memref<1x200x64xf32, #tpu.memory_space<vmem>> -> memref<200x64xf32, #tpu.memory_space<vmem>>
        tpu.enqueue_dma source(%dma_start3A_379 : memref<200x64xf32, #tpu.memory_space<vmem>>) target(%dma_start3A_375 : memref<200x64xf32, #tpu.memory_space<hbm>>) target_semaphore(%run_scoped3A_363 : memref<!tpu.dma_semaphore, #tpu.memory_space<semaphore_mem>>)
        %dma_wait3A_380 = arith.constant 0 : i32
        %dma_wait3A_381 = arith.constant 0 : i32
        %dma_wait3A_382 = tpu.memref_slice %arg6[%run_scoped3A_295, %dma_wait3A_380, %dma_wait3A_381] : memref<4x200x64xf32, #tpu.memory_space<vmem>> -> memref<1x200x64xf32, #tpu.memory_space<vmem>>
        %dma_wait3A_383 = tpu.memref_squeeze %dma_wait3A_382 : memref<1x200x64xf32, #tpu.memory_space<vmem>> -> memref<200x64xf32, #tpu.memory_space<vmem>>
        %dma_wait3A_384 = arith.constant 0 : i32
        %dma_wait3A_385 = arith.constant 0 : i32
        %dma_wait3A_386 = tpu.memref_slice %arg4[%add3A_277, %dma_wait3A_384, %dma_wait3A_385] : memref<4096x200x64xf32, #tpu.memory_space<hbm>> -> memref<1x200x64xf32, #tpu.memory_space<hbm>>
        %dma_wait3A_387 = tpu.memref_squeeze %dma_wait3A_386 : memref<1x200x64xf32, #tpu.memory_space<hbm>> -> memref<200x64xf32, #tpu.memory_space<hbm>>
        %dma_wait3A_388 = arith.constant 0 : i32
        %dma_wait3A_389 = arith.constant 0 : i32
        %dma_wait3A_390 = tpu.memref_slice %arg4[%add3A_277, %dma_wait3A_388, %dma_wait3A_389] : memref<4096x200x64xf32, #tpu.memory_space<hbm>> -> memref<1x200x64xf32, #tpu.memory_space<hbm>>
        %dma_wait3A_391 = tpu.memref_squeeze %dma_wait3A_390 : memref<1x200x64xf32, #tpu.memory_space<hbm>> -> memref<200x64xf32, #tpu.memory_space<hbm>>
        %dma_wait3A_392 = arith.constant 0 : i32
        %dma_wait3A_393 = arith.constant 0 : i32
        %dma_wait3A_394 = tpu.memref_slice %arg6[%run_scoped3A_295, %dma_wait3A_392, %dma_wait3A_393] : memref<4x200x64xf32, #tpu.memory_space<vmem>> -> memref<1x200x64xf32, #tpu.memory_space<vmem>>
        %dma_wait3A_395 = tpu.memref_squeeze %dma_wait3A_394 : memref<1x200x64xf32, #tpu.memory_space<vmem>> -> memref<200x64xf32, #tpu.memory_space<vmem>>
        tpu.wait_dma2 semaphore(%run_scoped3A_363 : memref<!tpu.dma_semaphore, #tpu.memory_space<semaphore_mem>>) src(%dma_wait3A_395 : memref<200x64xf32, #tpu.memory_space<vmem>>) dst(%dma_wait3A_391 : memref<200x64xf32, #tpu.memory_space<hbm>>)
        tpu.yield
      }) : () -> ()
      %add3A_296 = arith.constant 4 : i32
      %add3A_297 = arith.addi %add3A_276, %add3A_296 : i32
      %lt3A_298 = arith.constant 128 : i32
      %lt3A_299 = arith.cmpi slt, %add3A_297, %lt3A_298 : i32
      %convert_element_type3A_300 = arith.extui %lt3A_299 : i1 to i32
      %cond3A_301 = arith.constant 0 : i32
      %cond3A_302 = arith.cmpi ne, %convert_element_type3A_300, %cond3A_301 : i32
      scf.if %cond3A_302 {
        %dma_start3A_363 = arith.constant 1 : i32
        %dma_start3A_364 = arith.constant 0 : i32
        %dma_start3A_365 = arith.constant 0 : i32
        %dma_start3A_366 = tpu.memref_slice %arg6[%dma_start3A_363, %dma_start3A_364, %dma_start3A_365] : memref<4x200x64xf32, #tpu.memory_space<vmem>> -> memref<1x40x64xf32, #tpu.memory_space<vmem>>
        %dma_start3A_367 = tpu.memref_squeeze %dma_start3A_366 : memref<1x40x64xf32, #tpu.memory_space<vmem>> -> memref<40x64xf32, #tpu.memory_space<vmem>>
        %dma_start3A_368 = arith.constant 0 : i32
        %dma_start3A_369 = tpu.memref_slice %arg5[%add3A_297, %dma_start3A_368] : memref<128x200xi32, #tpu.memory_space<vmem>> -> memref<1x40xi32, #tpu.memory_space<vmem>>
        %dma_start3A_370 = tpu.memref_squeeze %dma_start3A_369 : memref<1x40xi32, #tpu.memory_space<vmem>> -> memref<40xi32, #tpu.memory_space<vmem>>
        %dma_start3A_371 = arith.constant 0 : i32
        %dma_start3A_372 = arith.constant 0 : i32
        %dma_start3A_373 = tpu.memref_slice %arg2[%dma_start3A_371, %dma_start3A_372] : memref<1000000x64xf32, #tpu.memory_space<hbm>> -> memref<1000000x64xf32, #tpu.memory_space<hbm>>
        tpu.enqueue_indirect_dma source(%dma_start3A_373 : memref<1000000x64xf32, #tpu.memory_space<hbm>>) target(%dma_start3A_367 : memref<40x64xf32, #tpu.memory_space<vmem>>) offsets(%dma_start3A_370 : memref<40xi32, #tpu.memory_space<vmem>>) semaphore(%arg8 : memref<!tpu.dma_semaphore, #tpu.memory_space<semaphore_mem>>)
        %dma_start3A_374 = arith.constant 1 : i32
        %dma_start3A_375 = arith.constant 40 : i32
        %dma_start3A_376 = arith.constant 0 : i32
        %dma_start3A_377 = tpu.memref_slice %arg6[%dma_start3A_374, %dma_start3A_375, %dma_start3A_376] : memref<4x200x64xf32, #tpu.memory_space<vmem>> -> memref<1x40x64xf32, #tpu.memory_space<vmem>>
        %dma_start3A_378 = tpu.memref_squeeze %dma_start3A_377 : memref<1x40x64xf32, #tpu.memory_space<vmem>> -> memref<40x64xf32, #tpu.memory_space<vmem>>
        %dma_start3A_379 = arith.constant 40 : i32
        %dma_start3A_380 = tpu.memref_slice %arg5[%add3A_297, %dma_start3A_379] : memref<128x200xi32, #tpu.memory_space<vmem>> -> memref<1x40xi32, #tpu.memory_space<vmem>>
        %dma_start3A_381 = tpu.memref_squeeze %dma_start3A_380 : memref<1x40xi32, #tpu.memory_space<vmem>> -> memref<40xi32, #tpu.memory_space<vmem>>
        %dma_start3A_382 = arith.constant 0 : i32
        %dma_start3A_383 = arith.constant 0 : i32
        %dma_start3A_384 = tpu.memref_slice %arg2[%dma_start3A_382, %dma_start3A_383] : memref<1000000x64xf32, #tpu.memory_space<hbm>> -> memref<1000000x64xf32, #tpu.memory_space<hbm>>
        tpu.enqueue_indirect_dma source(%dma_start3A_384 : memref<1000000x64xf32, #tpu.memory_space<hbm>>) target(%dma_start3A_378 : memref<40x64xf32, #tpu.memory_space<vmem>>) offsets(%dma_start3A_381 : memref<40xi32, #tpu.memory_space<vmem>>) semaphore(%arg8 : memref<!tpu.dma_semaphore, #tpu.memory_space<semaphore_mem>>)
        %dma_start3A_385 = arith.constant 1 : i32
        %dma_start3A_386 = arith.constant 80 : i32
        %dma_start3A_387 = arith.constant 0 : i32
        %dma_start3A_388 = tpu.memref_slice %arg6[%dma_start3A_385, %dma_start3A_386, %dma_start3A_387] : memref<4x200x64xf32, #tpu.memory_space<vmem>> -> memref<1x40x64xf32, #tpu.memory_space<vmem>>
        %dma_start3A_389 = tpu.memref_squeeze %dma_start3A_388 : memref<1x40x64xf32, #tpu.memory_space<vmem>> -> memref<40x64xf32, #tpu.memory_space<vmem>>
        %dma_start3A_390 = arith.constant 80 : i32
        %dma_start3A_391 = tpu.memref_slice %arg5[%add3A_297, %dma_start3A_390] : memref<128x200xi32, #tpu.memory_space<vmem>> -> memref<1x40xi32, #tpu.memory_space<vmem>>
        %dma_start3A_392 = tpu.memref_squeeze %dma_start3A_391 : memref<1x40xi32, #tpu.memory_space<vmem>> -> memref<40xi32, #tpu.memory_space<vmem>>
        %dma_start3A_393 = arith.constant 0 : i32
        %dma_start3A_394 = arith.constant 0 : i32
        %dma_start3A_395 = tpu.memref_slice %arg2[%dma_start3A_393, %dma_start3A_394] : memref<1000000x64xf32, #tpu.memory_space<hbm>> -> memref<1000000x64xf32, #tpu.memory_space<hbm>>
        tpu.enqueue_indirect_dma source(%dma_start3A_395 : memref<1000000x64xf32, #tpu.memory_space<hbm>>) target(%dma_start3A_389 : memref<40x64xf32, #tpu.memory_space<vmem>>) offsets(%dma_start3A_392 : memref<40xi32, #tpu.memory_space<vmem>>) semaphore(%arg8 : memref<!tpu.dma_semaphore, #tpu.memory_space<semaphore_mem>>)
        %dma_start3A_396 = arith.constant 1 : i32
        %dma_start3A_397 = arith.constant 120 : i32
        %dma_start3A_398 = arith.constant 0 : i32
        %dma_start3A_399 = tpu.memref_slice %arg6[%dma_start3A_396, %dma_start3A_397, %dma_start3A_398] : memref<4x200x64xf32, #tpu.memory_space<vmem>> -> memref<1x40x64xf32, #tpu.memory_space<vmem>>
        %dma_start3A_400 = tpu.memref_squeeze %dma_start3A_399 : memref<1x40x64xf32, #tpu.memory_space<vmem>> -> memref<40x64xf32, #tpu.memory_space<vmem>>
        %dma_start3A_401 = arith.constant 120 : i32
        %dma_start3A_402 = tpu.memref_slice %arg5[%add3A_297, %dma_start3A_401] : memref<128x200xi32, #tpu.memory_space<vmem>> -> memref<1x40xi32, #tpu.memory_space<vmem>>
        %dma_start3A_403 = tpu.memref_squeeze %dma_start3A_402 : memref<1x40xi32, #tpu.memory_space<vmem>> -> memref<40xi32, #tpu.memory_space<vmem>>
        %dma_start3A_404 = arith.constant 0 : i32
        %dma_start3A_405 = arith.constant 0 : i32
        %dma_start3A_406 = tpu.memref_slice %arg2[%dma_start3A_404, %dma_start3A_405] : memref<1000000x64xf32, #tpu.memory_space<hbm>> -> memref<1000000x64xf32, #tpu.memory_space<hbm>>
        tpu.enqueue_indirect_dma source(%dma_start3A_406 : memref<1000000x64xf32, #tpu.memory_space<hbm>>) target(%dma_start3A_400 : memref<40x64xf32, #tpu.memory_space<vmem>>) offsets(%dma_start3A_403 : memref<40xi32, #tpu.memory_space<vmem>>) semaphore(%arg8 : memref<!tpu.dma_semaphore, #tpu.memory_space<semaphore_mem>>)
        %dma_start3A_407 = arith.constant 1 : i32
        %dma_start3A_408 = arith.constant 160 : i32
        %dma_start3A_409 = arith.constant 0 : i32
        %dma_start3A_410 = tpu.memref_slice %arg6[%dma_start3A_407, %dma_start3A_408, %dma_start3A_409] : memref<4x200x64xf32, #tpu.memory_space<vmem>> -> memref<1x40x64xf32, #tpu.memory_space<vmem>>
        %dma_start3A_411 = tpu.memref_squeeze %dma_start3A_410 : memref<1x40x64xf32, #tpu.memory_space<vmem>> -> memref<40x64xf32, #tpu.memory_space<vmem>>
        %dma_start3A_412 = arith.constant 160 : i32
        %dma_start3A_413 = tpu.memref_slice %arg5[%add3A_297, %dma_start3A_412] : memref<128x200xi32, #tpu.memory_space<vmem>> -> memref<1x40xi32, #tpu.memory_space<vmem>>
        %dma_start3A_414 = tpu.memref_squeeze %dma_start3A_413 : memref<1x40xi32, #tpu.memory_space<vmem>> -> memref<40xi32, #tpu.memory_space<vmem>>
        %dma_start3A_415 = arith.constant 0 : i32
        %dma_start3A_416 = arith.constant 0 : i32
        %dma_start3A_417 = tpu.memref_slice %arg2[%dma_start3A_415, %dma_start3A_416] : memref<1000000x64xf32, #tpu.memory_space<hbm>> -> memref<1000000x64xf32, #tpu.memory_space<hbm>>
        tpu.enqueue_indirect_dma source(%dma_start3A_417 : memref<1000000x64xf32, #tpu.memory_space<hbm>>) target(%dma_start3A_411 : memref<40x64xf32, #tpu.memory_space<vmem>>) offsets(%dma_start3A_414 : memref<40xi32, #tpu.memory_space<vmem>>) semaphore(%arg8 : memref<!tpu.dma_semaphore, #tpu.memory_space<semaphore_mem>>)
      } else {
      }
      %mul3A_303 = arith.constant 4 : i32
      %mul3A_304 = arith.muli %scan3A_247, %mul3A_303 : i32
      %add3A_305 = arith.constant 2 : i32
      %add3A_306 = arith.addi %mul3A_304, %add3A_305 : i32
      %add3A_307 = arith.addi %mul3A_2, %add3A_306 : i32
      %dma_wait3A_308 = arith.constant 2 : i32
      %dma_wait3A_309 = arith.constant 0 : i32
      %dma_wait3A_310 = arith.constant 0 : i32
      %dma_wait3A_311 = tpu.memref_slice %arg6[%dma_wait3A_308, %dma_wait3A_309, %dma_wait3A_310] : memref<4x200x64xf32, #tpu.memory_space<vmem>> -> memref<1x200x64xf32, #tpu.memory_space<vmem>>
      %dma_wait3A_312 = tpu.memref_squeeze %dma_wait3A_311 : memref<1x200x64xf32, #tpu.memory_space<vmem>> -> memref<200x64xf32, #tpu.memory_space<vmem>>
      %dma_wait3A_313 = arith.constant 0 : i32
      %dma_wait3A_314 = arith.constant 0 : i32
      %dma_wait3A_315 = tpu.memref_slice %arg4[%add3A_307, %dma_wait3A_313, %dma_wait3A_314] : memref<4096x200x64xf32, #tpu.memory_space<hbm>> -> memref<1x200x64xf32, #tpu.memory_space<hbm>>
      %dma_wait3A_316 = tpu.memref_squeeze %dma_wait3A_315 : memref<1x200x64xf32, #tpu.memory_space<hbm>> -> memref<200x64xf32, #tpu.memory_space<hbm>>
      %dma_wait3A_317 = arith.constant 0 : i32
      %dma_wait3A_318 = arith.constant 0 : i32
      %dma_wait3A_319 = tpu.memref_slice %arg6[%dma_wait3A_308, %dma_wait3A_317, %dma_wait3A_318] : memref<4x200x64xf32, #tpu.memory_space<vmem>> -> memref<1x200x64xf32, #tpu.memory_space<vmem>>
      %dma_wait3A_320 = tpu.memref_squeeze %dma_wait3A_319 : memref<1x200x64xf32, #tpu.memory_space<vmem>> -> memref<200x64xf32, #tpu.memory_space<vmem>>
      %dma_wait3A_321 = arith.constant 0 : i32
      %dma_wait3A_322 = arith.constant 0 : i32
      %dma_wait3A_323 = tpu.memref_slice %arg4[%add3A_307, %dma_wait3A_321, %dma_wait3A_322] : memref<4096x200x64xf32, #tpu.memory_space<hbm>> -> memref<1x200x64xf32, #tpu.memory_space<hbm>>
      %dma_wait3A_324 = tpu.memref_squeeze %dma_wait3A_323 : memref<1x200x64xf32, #tpu.memory_space<hbm>> -> memref<200x64xf32, #tpu.memory_space<hbm>>
      tpu.wait_dma2 semaphore(%arg9 : memref<!tpu.dma_semaphore, #tpu.memory_space<semaphore_mem>>) src(%dma_wait3A_324 : memref<200x64xf32, #tpu.memory_space<hbm>>) dst(%dma_wait3A_320 : memref<200x64xf32, #tpu.memory_space<vmem>>)
      %run_scoped3A_325 = arith.constant 2 : i32
      "tpu.region"() ({
        %run_scoped3A_363 = tpu.sem_alloc : memref<!tpu.dma_semaphore, #tpu.memory_space<semaphore_mem>>
        %dma_start3A_364 = arith.constant 0 : i32
        %dma_start3A_365 = arith.constant 0 : i32
        %dma_start3A_366 = tpu.memref_slice %arg6[%run_scoped3A_325, %dma_start3A_364, %dma_start3A_365] : memref<4x200x64xf32, #tpu.memory_space<vmem>> -> memref<1x200x64xf32, #tpu.memory_space<vmem>>
        %dma_start3A_367 = tpu.memref_squeeze %dma_start3A_366 : memref<1x200x64xf32, #tpu.memory_space<vmem>> -> memref<200x64xf32, #tpu.memory_space<vmem>>
        %dma_start3A_368 = arith.constant 0 : i32
        %dma_start3A_369 = arith.constant 0 : i32
        %dma_start3A_370 = tpu.memref_slice %arg4[%add3A_307, %dma_start3A_368, %dma_start3A_369] : memref<4096x200x64xf32, #tpu.memory_space<hbm>> -> memref<1x200x64xf32, #tpu.memory_space<hbm>>
        %dma_start3A_371 = tpu.memref_squeeze %dma_start3A_370 : memref<1x200x64xf32, #tpu.memory_space<hbm>> -> memref<200x64xf32, #tpu.memory_space<hbm>>
        %dma_start3A_372 = arith.constant 0 : i32
        %dma_start3A_373 = arith.constant 0 : i32
        %dma_start3A_374 = tpu.memref_slice %arg4[%add3A_307, %dma_start3A_372, %dma_start3A_373] : memref<4096x200x64xf32, #tpu.memory_space<hbm>> -> memref<1x200x64xf32, #tpu.memory_space<hbm>>
        %dma_start3A_375 = tpu.memref_squeeze %dma_start3A_374 : memref<1x200x64xf32, #tpu.memory_space<hbm>> -> memref<200x64xf32, #tpu.memory_space<hbm>>
        %dma_start3A_376 = arith.constant 0 : i32
        %dma_start3A_377 = arith.constant 0 : i32
        %dma_start3A_378 = tpu.memref_slice %arg6[%run_scoped3A_325, %dma_start3A_376, %dma_start3A_377] : memref<4x200x64xf32, #tpu.memory_space<vmem>> -> memref<1x200x64xf32, #tpu.memory_space<vmem>>
        %dma_start3A_379 = tpu.memref_squeeze %dma_start3A_378 : memref<1x200x64xf32, #tpu.memory_space<vmem>> -> memref<200x64xf32, #tpu.memory_space<vmem>>
        tpu.enqueue_dma source(%dma_start3A_379 : memref<200x64xf32, #tpu.memory_space<vmem>>) target(%dma_start3A_375 : memref<200x64xf32, #tpu.memory_space<hbm>>) target_semaphore(%run_scoped3A_363 : memref<!tpu.dma_semaphore, #tpu.memory_space<semaphore_mem>>)
        %dma_wait3A_380 = arith.constant 0 : i32
        %dma_wait3A_381 = arith.constant 0 : i32
        %dma_wait3A_382 = tpu.memref_slice %arg6[%run_scoped3A_325, %dma_wait3A_380, %dma_wait3A_381] : memref<4x200x64xf32, #tpu.memory_space<vmem>> -> memref<1x200x64xf32, #tpu.memory_space<vmem>>
        %dma_wait3A_383 = tpu.memref_squeeze %dma_wait3A_382 : memref<1x200x64xf32, #tpu.memory_space<vmem>> -> memref<200x64xf32, #tpu.memory_space<vmem>>
        %dma_wait3A_384 = arith.constant 0 : i32
        %dma_wait3A_385 = arith.constant 0 : i32
        %dma_wait3A_386 = tpu.memref_slice %arg4[%add3A_307, %dma_wait3A_384, %dma_wait3A_385] : memref<4096x200x64xf32, #tpu.memory_space<hbm>> -> memref<1x200x64xf32, #tpu.memory_space<hbm>>
        %dma_wait3A_387 = tpu.memref_squeeze %dma_wait3A_386 : memref<1x200x64xf32, #tpu.memory_space<hbm>> -> memref<200x64xf32, #tpu.memory_space<hbm>>
        %dma_wait3A_388 = arith.constant 0 : i32
        %dma_wait3A_389 = arith.constant 0 : i32
        %dma_wait3A_390 = tpu.memref_slice %arg4[%add3A_307, %dma_wait3A_388, %dma_wait3A_389] : memref<4096x200x64xf32, #tpu.memory_space<hbm>> -> memref<1x200x64xf32, #tpu.memory_space<hbm>>
        %dma_wait3A_391 = tpu.memref_squeeze %dma_wait3A_390 : memref<1x200x64xf32, #tpu.memory_space<hbm>> -> memref<200x64xf32, #tpu.memory_space<hbm>>
        %dma_wait3A_392 = arith.constant 0 : i32
        %dma_wait3A_393 = arith.constant 0 : i32
        %dma_wait3A_394 = tpu.memref_slice %arg6[%run_scoped3A_325, %dma_wait3A_392, %dma_wait3A_393] : memref<4x200x64xf32, #tpu.memory_space<vmem>> -> memref<1x200x64xf32, #tpu.memory_space<vmem>>
        %dma_wait3A_395 = tpu.memref_squeeze %dma_wait3A_394 : memref<1x200x64xf32, #tpu.memory_space<vmem>> -> memref<200x64xf32, #tpu.memory_space<vmem>>
        tpu.wait_dma2 semaphore(%run_scoped3A_363 : memref<!tpu.dma_semaphore, #tpu.memory_space<semaphore_mem>>) src(%dma_wait3A_395 : memref<200x64xf32, #tpu.memory_space<vmem>>) dst(%dma_wait3A_391 : memref<200x64xf32, #tpu.memory_space<hbm>>)
        tpu.yield
      }) : () -> ()
      %add3A_326 = arith.constant 4 : i32
      %add3A_327 = arith.addi %add3A_306, %add3A_326 : i32
      %lt3A_328 = arith.constant 128 : i32
      %lt3A_329 = arith.cmpi slt, %add3A_327, %lt3A_328 : i32
      %convert_element_type3A_330 = arith.extui %lt3A_329 : i1 to i32
      %cond3A_331 = arith.constant 0 : i32
      %cond3A_332 = arith.cmpi ne, %convert_element_type3A_330, %cond3A_331 : i32
      scf.if %cond3A_332 {
        %dma_start3A_363 = arith.constant 2 : i32
        %dma_start3A_364 = arith.constant 0 : i32
        %dma_start3A_365 = arith.constant 0 : i32
        %dma_start3A_366 = tpu.memref_slice %arg6[%dma_start3A_363, %dma_start3A_364, %dma_start3A_365] : memref<4x200x64xf32, #tpu.memory_space<vmem>> -> memref<1x40x64xf32, #tpu.memory_space<vmem>>
        %dma_start3A_367 = tpu.memref_squeeze %dma_start3A_366 : memref<1x40x64xf32, #tpu.memory_space<vmem>> -> memref<40x64xf32, #tpu.memory_space<vmem>>
        %dma_start3A_368 = arith.constant 0 : i32
        %dma_start3A_369 = tpu.memref_slice %arg5[%add3A_327, %dma_start3A_368] : memref<128x200xi32, #tpu.memory_space<vmem>> -> memref<1x40xi32, #tpu.memory_space<vmem>>
        %dma_start3A_370 = tpu.memref_squeeze %dma_start3A_369 : memref<1x40xi32, #tpu.memory_space<vmem>> -> memref<40xi32, #tpu.memory_space<vmem>>
        %dma_start3A_371 = arith.constant 0 : i32
        %dma_start3A_372 = arith.constant 0 : i32
        %dma_start3A_373 = tpu.memref_slice %arg2[%dma_start3A_371, %dma_start3A_372] : memref<1000000x64xf32, #tpu.memory_space<hbm>> -> memref<1000000x64xf32, #tpu.memory_space<hbm>>
        tpu.enqueue_indirect_dma source(%dma_start3A_373 : memref<1000000x64xf32, #tpu.memory_space<hbm>>) target(%dma_start3A_367 : memref<40x64xf32, #tpu.memory_space<vmem>>) offsets(%dma_start3A_370 : memref<40xi32, #tpu.memory_space<vmem>>) semaphore(%arg9 : memref<!tpu.dma_semaphore, #tpu.memory_space<semaphore_mem>>)
        %dma_start3A_374 = arith.constant 2 : i32
        %dma_start3A_375 = arith.constant 40 : i32
        %dma_start3A_376 = arith.constant 0 : i32
        %dma_start3A_377 = tpu.memref_slice %arg6[%dma_start3A_374, %dma_start3A_375, %dma_start3A_376] : memref<4x200x64xf32, #tpu.memory_space<vmem>> -> memref<1x40x64xf32, #tpu.memory_space<vmem>>
        %dma_start3A_378 = tpu.memref_squeeze %dma_start3A_377 : memref<1x40x64xf32, #tpu.memory_space<vmem>> -> memref<40x64xf32, #tpu.memory_space<vmem>>
        %dma_start3A_379 = arith.constant 40 : i32
        %dma_start3A_380 = tpu.memref_slice %arg5[%add3A_327, %dma_start3A_379] : memref<128x200xi32, #tpu.memory_space<vmem>> -> memref<1x40xi32, #tpu.memory_space<vmem>>
        %dma_start3A_381 = tpu.memref_squeeze %dma_start3A_380 : memref<1x40xi32, #tpu.memory_space<vmem>> -> memref<40xi32, #tpu.memory_space<vmem>>
        %dma_start3A_382 = arith.constant 0 : i32
        %dma_start3A_383 = arith.constant 0 : i32
        %dma_start3A_384 = tpu.memref_slice %arg2[%dma_start3A_382, %dma_start3A_383] : memref<1000000x64xf32, #tpu.memory_space<hbm>> -> memref<1000000x64xf32, #tpu.memory_space<hbm>>
        tpu.enqueue_indirect_dma source(%dma_start3A_384 : memref<1000000x64xf32, #tpu.memory_space<hbm>>) target(%dma_start3A_378 : memref<40x64xf32, #tpu.memory_space<vmem>>) offsets(%dma_start3A_381 : memref<40xi32, #tpu.memory_space<vmem>>) semaphore(%arg9 : memref<!tpu.dma_semaphore, #tpu.memory_space<semaphore_mem>>)
        %dma_start3A_385 = arith.constant 2 : i32
        %dma_start3A_386 = arith.constant 80 : i32
        %dma_start3A_387 = arith.constant 0 : i32
        %dma_start3A_388 = tpu.memref_slice %arg6[%dma_start3A_385, %dma_start3A_386, %dma_start3A_387] : memref<4x200x64xf32, #tpu.memory_space<vmem>> -> memref<1x40x64xf32, #tpu.memory_space<vmem>>
        %dma_start3A_389 = tpu.memref_squeeze %dma_start3A_388 : memref<1x40x64xf32, #tpu.memory_space<vmem>> -> memref<40x64xf32, #tpu.memory_space<vmem>>
        %dma_start3A_390 = arith.constant 80 : i32
        %dma_start3A_391 = tpu.memref_slice %arg5[%add3A_327, %dma_start3A_390] : memref<128x200xi32, #tpu.memory_space<vmem>> -> memref<1x40xi32, #tpu.memory_space<vmem>>
        %dma_start3A_392 = tpu.memref_squeeze %dma_start3A_391 : memref<1x40xi32, #tpu.memory_space<vmem>> -> memref<40xi32, #tpu.memory_space<vmem>>
        %dma_start3A_393 = arith.constant 0 : i32
        %dma_start3A_394 = arith.constant 0 : i32
        %dma_start3A_395 = tpu.memref_slice %arg2[%dma_start3A_393, %dma_start3A_394] : memref<1000000x64xf32, #tpu.memory_space<hbm>> -> memref<1000000x64xf32, #tpu.memory_space<hbm>>
        tpu.enqueue_indirect_dma source(%dma_start3A_395 : memref<1000000x64xf32, #tpu.memory_space<hbm>>) target(%dma_start3A_389 : memref<40x64xf32, #tpu.memory_space<vmem>>) offsets(%dma_start3A_392 : memref<40xi32, #tpu.memory_space<vmem>>) semaphore(%arg9 : memref<!tpu.dma_semaphore, #tpu.memory_space<semaphore_mem>>)
        %dma_start3A_396 = arith.constant 2 : i32
        %dma_start3A_397 = arith.constant 120 : i32
        %dma_start3A_398 = arith.constant 0 : i32
        %dma_start3A_399 = tpu.memref_slice %arg6[%dma_start3A_396, %dma_start3A_397, %dma_start3A_398] : memref<4x200x64xf32, #tpu.memory_space<vmem>> -> memref<1x40x64xf32, #tpu.memory_space<vmem>>
        %dma_start3A_400 = tpu.memref_squeeze %dma_start3A_399 : memref<1x40x64xf32, #tpu.memory_space<vmem>> -> memref<40x64xf32, #tpu.memory_space<vmem>>
        %dma_start3A_401 = arith.constant 120 : i32
        %dma_start3A_402 = tpu.memref_slice %arg5[%add3A_327, %dma_start3A_401] : memref<128x200xi32, #tpu.memory_space<vmem>> -> memref<1x40xi32, #tpu.memory_space<vmem>>
        %dma_start3A_403 = tpu.memref_squeeze %dma_start3A_402 : memref<1x40xi32, #tpu.memory_space<vmem>> -> memref<40xi32, #tpu.memory_space<vmem>>
        %dma_start3A_404 = arith.constant 0 : i32
        %dma_start3A_405 = arith.constant 0 : i32
        %dma_start3A_406 = tpu.memref_slice %arg2[%dma_start3A_404, %dma_start3A_405] : memref<1000000x64xf32, #tpu.memory_space<hbm>> -> memref<1000000x64xf32, #tpu.memory_space<hbm>>
        tpu.enqueue_indirect_dma source(%dma_start3A_406 : memref<1000000x64xf32, #tpu.memory_space<hbm>>) target(%dma_start3A_400 : memref<40x64xf32, #tpu.memory_space<vmem>>) offsets(%dma_start3A_403 : memref<40xi32, #tpu.memory_space<vmem>>) semaphore(%arg9 : memref<!tpu.dma_semaphore, #tpu.memory_space<semaphore_mem>>)
        %dma_start3A_407 = arith.constant 2 : i32
        %dma_start3A_408 = arith.constant 160 : i32
        %dma_start3A_409 = arith.constant 0 : i32
        %dma_start3A_410 = tpu.memref_slice %arg6[%dma_start3A_407, %dma_start3A_408, %dma_start3A_409] : memref<4x200x64xf32, #tpu.memory_space<vmem>> -> memref<1x40x64xf32, #tpu.memory_space<vmem>>
        %dma_start3A_411 = tpu.memref_squeeze %dma_start3A_410 : memref<1x40x64xf32, #tpu.memory_space<vmem>> -> memref<40x64xf32, #tpu.memory_space<vmem>>
        %dma_start3A_412 = arith.constant 160 : i32
        %dma_start3A_413 = tpu.memref_slice %arg5[%add3A_327, %dma_start3A_412] : memref<128x200xi32, #tpu.memory_space<vmem>> -> memref<1x40xi32, #tpu.memory_space<vmem>>
        %dma_start3A_414 = tpu.memref_squeeze %dma_start3A_413 : memref<1x40xi32, #tpu.memory_space<vmem>> -> memref<40xi32, #tpu.memory_space<vmem>>
        %dma_start3A_415 = arith.constant 0 : i32
        %dma_start3A_416 = arith.constant 0 : i32
        %dma_start3A_417 = tpu.memref_slice %arg2[%dma_start3A_415, %dma_start3A_416] : memref<1000000x64xf32, #tpu.memory_space<hbm>> -> memref<1000000x64xf32, #tpu.memory_space<hbm>>
        tpu.enqueue_indirect_dma source(%dma_start3A_417 : memref<1000000x64xf32, #tpu.memory_space<hbm>>) target(%dma_start3A_411 : memref<40x64xf32, #tpu.memory_space<vmem>>) offsets(%dma_start3A_414 : memref<40xi32, #tpu.memory_space<vmem>>) semaphore(%arg9 : memref<!tpu.dma_semaphore, #tpu.memory_space<semaphore_mem>>)
      } else {
      }
      %mul3A_333 = arith.constant 4 : i32
      %mul3A_334 = arith.muli %scan3A_247, %mul3A_333 : i32
      %add3A_335 = arith.constant 3 : i32
      %add3A_336 = arith.addi %mul3A_334, %add3A_335 : i32
      %add3A_337 = arith.addi %mul3A_2, %add3A_336 : i32
      %dma_wait3A_338 = arith.constant 3 : i32
      %dma_wait3A_339 = arith.constant 0 : i32
      %dma_wait3A_340 = arith.constant 0 : i32
      %dma_wait3A_341 = tpu.memref_slice %arg6[%dma_wait3A_338, %dma_wait3A_339, %dma_wait3A_340] : memref<4x200x64xf32, #tpu.memory_space<vmem>> -> memref<1x200x64xf32, #tpu.memory_space<vmem>>
      %dma_wait3A_342 = tpu.memref_squeeze %dma_wait3A_341 : memref<1x200x64xf32, #tpu.memory_space<vmem>> -> memref<200x64xf32, #tpu.memory_space<vmem>>
      %dma_wait3A_343 = arith.constant 0 : i32
      %dma_wait3A_344 = arith.constant 0 : i32
      %dma_wait3A_345 = tpu.memref_slice %arg4[%add3A_337, %dma_wait3A_343, %dma_wait3A_344] : memref<4096x200x64xf32, #tpu.memory_space<hbm>> -> memref<1x200x64xf32, #tpu.memory_space<hbm>>
      %dma_wait3A_346 = tpu.memref_squeeze %dma_wait3A_345 : memref<1x200x64xf32, #tpu.memory_space<hbm>> -> memref<200x64xf32, #tpu.memory_space<hbm>>
      %dma_wait3A_347 = arith.constant 0 : i32
      %dma_wait3A_348 = arith.constant 0 : i32
      %dma_wait3A_349 = tpu.memref_slice %arg6[%dma_wait3A_338, %dma_wait3A_347, %dma_wait3A_348] : memref<4x200x64xf32, #tpu.memory_space<vmem>> -> memref<1x200x64xf32, #tpu.memory_space<vmem>>
      %dma_wait3A_350 = tpu.memref_squeeze %dma_wait3A_349 : memref<1x200x64xf32, #tpu.memory_space<vmem>> -> memref<200x64xf32, #tpu.memory_space<vmem>>
      %dma_wait3A_351 = arith.constant 0 : i32
      %dma_wait3A_352 = arith.constant 0 : i32
      %dma_wait3A_353 = tpu.memref_slice %arg4[%add3A_337, %dma_wait3A_351, %dma_wait3A_352] : memref<4096x200x64xf32, #tpu.memory_space<hbm>> -> memref<1x200x64xf32, #tpu.memory_space<hbm>>
      %dma_wait3A_354 = tpu.memref_squeeze %dma_wait3A_353 : memref<1x200x64xf32, #tpu.memory_space<hbm>> -> memref<200x64xf32, #tpu.memory_space<hbm>>
      tpu.wait_dma2 semaphore(%arg10 : memref<!tpu.dma_semaphore, #tpu.memory_space<semaphore_mem>>) src(%dma_wait3A_354 : memref<200x64xf32, #tpu.memory_space<hbm>>) dst(%dma_wait3A_350 : memref<200x64xf32, #tpu.memory_space<vmem>>)
      %run_scoped3A_355 = arith.constant 3 : i32
      "tpu.region"() ({
        %run_scoped3A_363 = tpu.sem_alloc : memref<!tpu.dma_semaphore, #tpu.memory_space<semaphore_mem>>
        %dma_start3A_364 = arith.constant 0 : i32
        %dma_start3A_365 = arith.constant 0 : i32
        %dma_start3A_366 = tpu.memref_slice %arg6[%run_scoped3A_355, %dma_start3A_364, %dma_start3A_365] : memref<4x200x64xf32, #tpu.memory_space<vmem>> -> memref<1x200x64xf32, #tpu.memory_space<vmem>>
        %dma_start3A_367 = tpu.memref_squeeze %dma_start3A_366 : memref<1x200x64xf32, #tpu.memory_space<vmem>> -> memref<200x64xf32, #tpu.memory_space<vmem>>
        %dma_start3A_368 = arith.constant 0 : i32
        %dma_start3A_369 = arith.constant 0 : i32
        %dma_start3A_370 = tpu.memref_slice %arg4[%add3A_337, %dma_start3A_368, %dma_start3A_369] : memref<4096x200x64xf32, #tpu.memory_space<hbm>> -> memref<1x200x64xf32, #tpu.memory_space<hbm>>
        %dma_start3A_371 = tpu.memref_squeeze %dma_start3A_370 : memref<1x200x64xf32, #tpu.memory_space<hbm>> -> memref<200x64xf32, #tpu.memory_space<hbm>>
        %dma_start3A_372 = arith.constant 0 : i32
        %dma_start3A_373 = arith.constant 0 : i32
        %dma_start3A_374 = tpu.memref_slice %arg4[%add3A_337, %dma_start3A_372, %dma_start3A_373] : memref<4096x200x64xf32, #tpu.memory_space<hbm>> -> memref<1x200x64xf32, #tpu.memory_space<hbm>>
        %dma_start3A_375 = tpu.memref_squeeze %dma_start3A_374 : memref<1x200x64xf32, #tpu.memory_space<hbm>> -> memref<200x64xf32, #tpu.memory_space<hbm>>
        %dma_start3A_376 = arith.constant 0 : i32
        %dma_start3A_377 = arith.constant 0 : i32
        %dma_start3A_378 = tpu.memref_slice %arg6[%run_scoped3A_355, %dma_start3A_376, %dma_start3A_377] : memref<4x200x64xf32, #tpu.memory_space<vmem>> -> memref<1x200x64xf32, #tpu.memory_space<vmem>>
        %dma_start3A_379 = tpu.memref_squeeze %dma_start3A_378 : memref<1x200x64xf32, #tpu.memory_space<vmem>> -> memref<200x64xf32, #tpu.memory_space<vmem>>
        tpu.enqueue_dma source(%dma_start3A_379 : memref<200x64xf32, #tpu.memory_space<vmem>>) target(%dma_start3A_375 : memref<200x64xf32, #tpu.memory_space<hbm>>) target_semaphore(%run_scoped3A_363 : memref<!tpu.dma_semaphore, #tpu.memory_space<semaphore_mem>>)
        %dma_wait3A_380 = arith.constant 0 : i32
        %dma_wait3A_381 = arith.constant 0 : i32
        %dma_wait3A_382 = tpu.memref_slice %arg6[%run_scoped3A_355, %dma_wait3A_380, %dma_wait3A_381] : memref<4x200x64xf32, #tpu.memory_space<vmem>> -> memref<1x200x64xf32, #tpu.memory_space<vmem>>
        %dma_wait3A_383 = tpu.memref_squeeze %dma_wait3A_382 : memref<1x200x64xf32, #tpu.memory_space<vmem>> -> memref<200x64xf32, #tpu.memory_space<vmem>>
        %dma_wait3A_384 = arith.constant 0 : i32
        %dma_wait3A_385 = arith.constant 0 : i32
        %dma_wait3A_386 = tpu.memref_slice %arg4[%add3A_337, %dma_wait3A_384, %dma_wait3A_385] : memref<4096x200x64xf32, #tpu.memory_space<hbm>> -> memref<1x200x64xf32, #tpu.memory_space<hbm>>
        %dma_wait3A_387 = tpu.memref_squeeze %dma_wait3A_386 : memref<1x200x64xf32, #tpu.memory_space<hbm>> -> memref<200x64xf32, #tpu.memory_space<hbm>>
        %dma_wait3A_388 = arith.constant 0 : i32
        %dma_wait3A_389 = arith.constant 0 : i32
        %dma_wait3A_390 = tpu.memref_slice %arg4[%add3A_337, %dma_wait3A_388, %dma_wait3A_389] : memref<4096x200x64xf32, #tpu.memory_space<hbm>> -> memref<1x200x64xf32, #tpu.memory_space<hbm>>
        %dma_wait3A_391 = tpu.memref_squeeze %dma_wait3A_390 : memref<1x200x64xf32, #tpu.memory_space<hbm>> -> memref<200x64xf32, #tpu.memory_space<hbm>>
        %dma_wait3A_392 = arith.constant 0 : i32
        %dma_wait3A_393 = arith.constant 0 : i32
        %dma_wait3A_394 = tpu.memref_slice %arg6[%run_scoped3A_355, %dma_wait3A_392, %dma_wait3A_393] : memref<4x200x64xf32, #tpu.memory_space<vmem>> -> memref<1x200x64xf32, #tpu.memory_space<vmem>>
        %dma_wait3A_395 = tpu.memref_squeeze %dma_wait3A_394 : memref<1x200x64xf32, #tpu.memory_space<vmem>> -> memref<200x64xf32, #tpu.memory_space<vmem>>
        tpu.wait_dma2 semaphore(%run_scoped3A_363 : memref<!tpu.dma_semaphore, #tpu.memory_space<semaphore_mem>>) src(%dma_wait3A_395 : memref<200x64xf32, #tpu.memory_space<vmem>>) dst(%dma_wait3A_391 : memref<200x64xf32, #tpu.memory_space<hbm>>)
        tpu.yield
      }) : () -> ()
      %add3A_356 = arith.constant 4 : i32
      %add3A_357 = arith.addi %add3A_336, %add3A_356 : i32
      %lt3A_358 = arith.constant 128 : i32
      %lt3A_359 = arith.cmpi slt, %add3A_357, %lt3A_358 : i32
      %convert_element_type3A_360 = arith.extui %lt3A_359 : i1 to i32
      %cond3A_361 = arith.constant 0 : i32
      %cond3A_362 = arith.cmpi ne, %convert_element_type3A_360, %cond3A_361 : i32
      scf.if %cond3A_362 {
        %dma_start3A_363 = arith.constant 3 : i32
        %dma_start3A_364 = arith.constant 0 : i32
        %dma_start3A_365 = arith.constant 0 : i32
        %dma_start3A_366 = tpu.memref_slice %arg6[%dma_start3A_363, %dma_start3A_364, %dma_start3A_365] : memref<4x200x64xf32, #tpu.memory_space<vmem>> -> memref<1x40x64xf32, #tpu.memory_space<vmem>>
        %dma_start3A_367 = tpu.memref_squeeze %dma_start3A_366 : memref<1x40x64xf32, #tpu.memory_space<vmem>> -> memref<40x64xf32, #tpu.memory_space<vmem>>
        %dma_start3A_368 = arith.constant 0 : i32
        %dma_start3A_369 = tpu.memref_slice %arg5[%add3A_357, %dma_start3A_368] : memref<128x200xi32, #tpu.memory_space<vmem>> -> memref<1x40xi32, #tpu.memory_space<vmem>>
        %dma_start3A_370 = tpu.memref_squeeze %dma_start3A_369 : memref<1x40xi32, #tpu.memory_space<vmem>> -> memref<40xi32, #tpu.memory_space<vmem>>
        %dma_start3A_371 = arith.constant 0 : i32
        %dma_start3A_372 = arith.constant 0 : i32
        %dma_start3A_373 = tpu.memref_slice %arg2[%dma_start3A_371, %dma_start3A_372] : memref<1000000x64xf32, #tpu.memory_space<hbm>> -> memref<1000000x64xf32, #tpu.memory_space<hbm>>
        tpu.enqueue_indirect_dma source(%dma_start3A_373 : memref<1000000x64xf32, #tpu.memory_space<hbm>>) target(%dma_start3A_367 : memref<40x64xf32, #tpu.memory_space<vmem>>) offsets(%dma_start3A_370 : memref<40xi32, #tpu.memory_space<vmem>>) semaphore(%arg10 : memref<!tpu.dma_semaphore, #tpu.memory_space<semaphore_mem>>)
        %dma_start3A_374 = arith.constant 3 : i32
        %dma_start3A_375 = arith.constant 40 : i32
        %dma_start3A_376 = arith.constant 0 : i32
        %dma_start3A_377 = tpu.memref_slice %arg6[%dma_start3A_374, %dma_start3A_375, %dma_start3A_376] : memref<4x200x64xf32, #tpu.memory_space<vmem>> -> memref<1x40x64xf32, #tpu.memory_space<vmem>>
        %dma_start3A_378 = tpu.memref_squeeze %dma_start3A_377 : memref<1x40x64xf32, #tpu.memory_space<vmem>> -> memref<40x64xf32, #tpu.memory_space<vmem>>
        %dma_start3A_379 = arith.constant 40 : i32
        %dma_start3A_380 = tpu.memref_slice %arg5[%add3A_357, %dma_start3A_379] : memref<128x200xi32, #tpu.memory_space<vmem>> -> memref<1x40xi32, #tpu.memory_space<vmem>>
        %dma_start3A_381 = tpu.memref_squeeze %dma_start3A_380 : memref<1x40xi32, #tpu.memory_space<vmem>> -> memref<40xi32, #tpu.memory_space<vmem>>
        %dma_start3A_382 = arith.constant 0 : i32
        %dma_start3A_383 = arith.constant 0 : i32
        %dma_start3A_384 = tpu.memref_slice %arg2[%dma_start3A_382, %dma_start3A_383] : memref<1000000x64xf32, #tpu.memory_space<hbm>> -> memref<1000000x64xf32, #tpu.memory_space<hbm>>
        tpu.enqueue_indirect_dma source(%dma_start3A_384 : memref<1000000x64xf32, #tpu.memory_space<hbm>>) target(%dma_start3A_378 : memref<40x64xf32, #tpu.memory_space<vmem>>) offsets(%dma_start3A_381 : memref<40xi32, #tpu.memory_space<vmem>>) semaphore(%arg10 : memref<!tpu.dma_semaphore, #tpu.memory_space<semaphore_mem>>)
        %dma_start3A_385 = arith.constant 3 : i32
        %dma_start3A_386 = arith.constant 80 : i32
        %dma_start3A_387 = arith.constant 0 : i32
        %dma_start3A_388 = tpu.memref_slice %arg6[%dma_start3A_385, %dma_start3A_386, %dma_start3A_387] : memref<4x200x64xf32, #tpu.memory_space<vmem>> -> memref<1x40x64xf32, #tpu.memory_space<vmem>>
        %dma_start3A_389 = tpu.memref_squeeze %dma_start3A_388 : memref<1x40x64xf32, #tpu.memory_space<vmem>> -> memref<40x64xf32, #tpu.memory_space<vmem>>
        %dma_start3A_390 = arith.constant 80 : i32
        %dma_start3A_391 = tpu.memref_slice %arg5[%add3A_357, %dma_start3A_390] : memref<128x200xi32, #tpu.memory_space<vmem>> -> memref<1x40xi32, #tpu.memory_space<vmem>>
        %dma_start3A_392 = tpu.memref_squeeze %dma_start3A_391 : memref<1x40xi32, #tpu.memory_space<vmem>> -> memref<40xi32, #tpu.memory_space<vmem>>
        %dma_start3A_393 = arith.constant 0 : i32
        %dma_start3A_394 = arith.constant 0 : i32
        %dma_start3A_395 = tpu.memref_slice %arg2[%dma_start3A_393, %dma_start3A_394] : memref<1000000x64xf32, #tpu.memory_space<hbm>> -> memref<1000000x64xf32, #tpu.memory_space<hbm>>
        tpu.enqueue_indirect_dma source(%dma_start3A_395 : memref<1000000x64xf32, #tpu.memory_space<hbm>>) target(%dma_start3A_389 : memref<40x64xf32, #tpu.memory_space<vmem>>) offsets(%dma_start3A_392 : memref<40xi32, #tpu.memory_space<vmem>>) semaphore(%arg10 : memref<!tpu.dma_semaphore, #tpu.memory_space<semaphore_mem>>)
        %dma_start3A_396 = arith.constant 3 : i32
        %dma_start3A_397 = arith.constant 120 : i32
        %dma_start3A_398 = arith.constant 0 : i32
        %dma_start3A_399 = tpu.memref_slice %arg6[%dma_start3A_396, %dma_start3A_397, %dma_start3A_398] : memref<4x200x64xf32, #tpu.memory_space<vmem>> -> memref<1x40x64xf32, #tpu.memory_space<vmem>>
        %dma_start3A_400 = tpu.memref_squeeze %dma_start3A_399 : memref<1x40x64xf32, #tpu.memory_space<vmem>> -> memref<40x64xf32, #tpu.memory_space<vmem>>
        %dma_start3A_401 = arith.constant 120 : i32
        %dma_start3A_402 = tpu.memref_slice %arg5[%add3A_357, %dma_start3A_401] : memref<128x200xi32, #tpu.memory_space<vmem>> -> memref<1x40xi32, #tpu.memory_space<vmem>>
        %dma_start3A_403 = tpu.memref_squeeze %dma_start3A_402 : memref<1x40xi32, #tpu.memory_space<vmem>> -> memref<40xi32, #tpu.memory_space<vmem>>
        %dma_start3A_404 = arith.constant 0 : i32
        %dma_start3A_405 = arith.constant 0 : i32
        %dma_start3A_406 = tpu.memref_slice %arg2[%dma_start3A_404, %dma_start3A_405] : memref<1000000x64xf32, #tpu.memory_space<hbm>> -> memref<1000000x64xf32, #tpu.memory_space<hbm>>
        tpu.enqueue_indirect_dma source(%dma_start3A_406 : memref<1000000x64xf32, #tpu.memory_space<hbm>>) target(%dma_start3A_400 : memref<40x64xf32, #tpu.memory_space<vmem>>) offsets(%dma_start3A_403 : memref<40xi32, #tpu.memory_space<vmem>>) semaphore(%arg10 : memref<!tpu.dma_semaphore, #tpu.memory_space<semaphore_mem>>)
        %dma_start3A_407 = arith.constant 3 : i32
        %dma_start3A_408 = arith.constant 160 : i32
        %dma_start3A_409 = arith.constant 0 : i32
        %dma_start3A_410 = tpu.memref_slice %arg6[%dma_start3A_407, %dma_start3A_408, %dma_start3A_409] : memref<4x200x64xf32, #tpu.memory_space<vmem>> -> memref<1x40x64xf32, #tpu.memory_space<vmem>>
        %dma_start3A_411 = tpu.memref_squeeze %dma_start3A_410 : memref<1x40x64xf32, #tpu.memory_space<vmem>> -> memref<40x64xf32, #tpu.memory_space<vmem>>
        %dma_start3A_412 = arith.constant 160 : i32
        %dma_start3A_413 = tpu.memref_slice %arg5[%add3A_357, %dma_start3A_412] : memref<128x200xi32, #tpu.memory_space<vmem>> -> memref<1x40xi32, #tpu.memory_space<vmem>>
        %dma_start3A_414 = tpu.memref_squeeze %dma_start3A_413 : memref<1x40xi32, #tpu.memory_space<vmem>> -> memref<40xi32, #tpu.memory_space<vmem>>
        %dma_start3A_415 = arith.constant 0 : i32
        %dma_start3A_416 = arith.constant 0 : i32
        %dma_start3A_417 = tpu.memref_slice %arg2[%dma_start3A_415, %dma_start3A_416] : memref<1000000x64xf32, #tpu.memory_space<hbm>> -> memref<1000000x64xf32, #tpu.memory_space<hbm>>
        tpu.enqueue_indirect_dma source(%dma_start3A_417 : memref<1000000x64xf32, #tpu.memory_space<hbm>>) target(%dma_start3A_411 : memref<40x64xf32, #tpu.memory_space<vmem>>) offsets(%dma_start3A_414 : memref<40xi32, #tpu.memory_space<vmem>>) semaphore(%arg10 : memref<!tpu.dma_semaphore, #tpu.memory_space<semaphore_mem>>)
      } else {
      }
    }
    %scan3A_246 = arith.constant 32 : i32
    return
  }
}

</mosaic_0001>

<sc_bundles>
// kernel: kernel.3.cloned.1.call-start
scs
__scs_entry_jumppad:
0x0: {  	(pc) =	sbr.rel $0x88, $3  }
0x1: {  	(tag) =	ssettag $0x0;
	lr =	simm.s32 $0x1  }
0x2: {  	[smem:$0x3F9F] =	sst lr;
	_ =	strace $0xD0000000  }
0x3: {  	_ = 	snop  }
0x4: {  	_ = 	snop  }
0x5: {  	_ = 	snop  }
0x6: {  	_ = 	snop  }
0x7: {  	_ = 	snop  }
__scs_overlays_trampoline_lowered:
0x8: {  	[smem:$0x3FAE] =	sst s0  }
0x9: {  	[smem:$0x3FAF] =	sst s1  }
0xa: {  	[smem:$0x3FB0] =	sst s2  }
0xb: {  	[smem:$0x3FB1] =	sst s3  }
0xc: {  	[smem:$0x3FB2] =	sst s4  }
0xd: {  	[smem:$0x3FB3] =	sst s5  }
0xe: {  	[smem:$0x3FB4] =	sst s6  }
0xf: {  	[smem:$0x3FB5] =	sst s7  }
0x10: {  	[smem:$0x3FB6] =	sst s8  }
0x11: {  	[smem:$0x3FB7] =	sst s9;
	s0 =	simm.s32 @!p0 $0x0  }
0x12: {  	s1 =	sld [smem:$0x3F9D];
	s0 =	simm.s32 @p0 $0x1  }
0x13: {  	[smem:$0x3FB8] =	sst s0;
	s0 =	simm.s32 @!p1 $0x0  }
0x14: {  	s2 =	sld [smem:$0x3F9C];
	s0 =	simm.s32 @p1 $0x1  }
0x15: {  	[smem:$0x3FB9] =	sst s0;
	s0 =	simm.s32 @!p2 $0x0  }
0x16: {  	s3 =	sld [smem:$0x3FDB];
	s0 =	simm.s32 @p2 $0x1  }
0x17: {  	s4 =	simm.s32 $0x1BF5;
	[smem:$0x3FBB] =	sst s0  }
0x18: {  	s0 =	sld [smem:$0x3F9E];
	_ =	swait.ge [sflag:s4], $0x0  }
0x19: {  	s7 =	sld [smem:$0x3F9F]  }
0x1a: {  	s8 =	sadd.s32 $0xFFFFE003, lr  }
0x1b: {  	s9 =	sadd.s32 $0xFFFFFEF7, lr;
	s5 =	simm.s32 $0xFFFFFFFF;
	p2 =	slt.u32 s8, $0xFFFFF086  }
0x1c: {  	p1 =	slt.u32 s9, $0xF7A;
	s5 =	simm.s32 @!p2 $0x0  }
0x1d: {  	s5 =	simm.s32 @p1 $0x1;
	p0 =	seq.s32 s7, s2  }
0x1e: {  	s7 =	smul.u32 @!p0 $0xF7A, s2;
	p2 =	seq.s32 @!p0 s5, $0x0  }
0x1f: {  	s9 =	smul.u32 $0xF7A, s1;
	s8 =	simm.s32 @!p0 $0x1BF5;
	p2 =	por !p2, p0  }
0x20: {  	[sflag:s8] =	ssyncset.s32 @!p0 $0xFFFFF086;
	s6 =	sadd.s32 @!p0 s3, s7;
	s7 =	simm.s32 @!p0 $0x108  }
0x21: {  	s3 =	sadd.s32 s3, s9;
	s6 =	sadd.s32 @!p0 $0x88, s6;
	s7 =	simm.s32 @p2 $0x1082  }
0x22: {  	[simem:s7], [sflag:s8] =	dma.local @!p0 [hbm:s6], $0xF7A  }
0x23: {  	s9 =	sor.u32 $0xD0000000, s2;
	s6 =	simm.s32 $0x108;
	_ =	swait.ge @!p0 [sflag:s8], $0x0  }
0x24: {  	s3 =	sadd.s32 $0x88, s3;
	s6 =	simm.s32 @!p1 $0x1082;
	[sflag:s4] =	ssyncset.s32 $0xFFFFF086  }
0x25: {  	[simem:s6], [sflag:s4] =	dma.local [hbm:s3], $0xF7A  }
0x26: {  	[smem:$0x3F9F] =	sst s1;
	(tag) =	ssettag s2;
	_ =	strace s9  }
0x27: {  	s1 =	sld [smem:$0x3FAF]  }
0x28: {  	s2 =	sld [smem:$0x3FB0]  }
0x29: {  	s4 =	sld [smem:$0x3FB2]  }
0x2a: {  	p0 =	seq.s32 s5, $0x0;
	s5 =	sld [smem:$0x3FB3]  }
0x2b: {  	s6 =	sld [smem:$0x3FB4]  }
0x2c: {  	s7 =	sld [smem:$0x3FB5]  }
0x2d: {  	s3 =	simm.s32 $0x108;
	s8 =	sld [smem:$0x3FB6]  }
0x2e: {  	s3 =	simm.s32 @!p0 $0x1082;
	s9 =	sld [smem:$0x3FB7]  }
0x2f: {  	lr =	sadd.s32 s0, s3;
	s0 =	sld [smem:$0x3FAE]  }
0x30: {  	s3 =	sld [smem:$0x3FB1]  }
0x31: {  	[smem:$0x3FBA] =	sst s10  }
0x32: {  	s10 =	sld [smem:$0x3FB8];
	_ =	sdelay $0x3  }
0x33: {  	p0 =	seq.s32 s10, $0x1;
	s10 =	sld [smem:$0x3FBA];
	_ =	sdelay $0x3  }
0x34: {  	[smem:$0x3FBA] =	sst s10  }
0x35: {  	s10 =	sld [smem:$0x3FB9];
	_ =	sdelay $0x3  }
0x36: {  	p1 =	seq.s32 s10, $0x1;
	s10 =	sld [smem:$0x3FBA];
	_ =	sdelay $0x3  }
0x37: {  	[smem:$0x3FBA] =	sst s10  }
0x38: {  	s10 =	sld [smem:$0x3FBB]  }
0x39: {  	_ = 	snop;
	(pc) =	sbr.ind lr, $3  }
0x3a: {  	_ = 	snop  }
0x3b: {  	_ = 	snop  }
0x3c: {  	p2 =	seq.s32 s10, $0x1;
	s10 =	sld [smem:$0x3FBA]  }
0x3d: {  	_ =	shalt  }
0x3e: {  	_ =	shalt  }
0x3f: {  	_ =	shalt  }
0x40: {  	_ =	shalt  }
0x41: {  	_ =	shalt  }
0x42: {  	_ =	shalt  }
0x43: {  	_ =	shalt  }
0x44: {  	_ =	shalt  }
0x45: {  	_ =	shalt  }
0x46: {  	_ =	shalt  }
0x47: {  	_ =	shalt  }
0x48: {  	_ =	shalt  }
0x49: {  	_ =	shalt  }
0x4a: {  	_ =	shalt  }
0x4b: {  	_ =	shalt  }
0x4c: {  	_ =	shalt  }
0x4d: {  	_ =	shalt  }
0x4e: {  	_ =	shalt  }
0x4f: {  	_ =	shalt  }
0x50: {  	_ =	shalt  }
0x51: {  	_ =	shalt  }
0x52: {  	_ =	shalt  }
0x53: {  	_ =	shalt  }
0x54: {  	_ =	shalt  }
0x55: {  	_ =	shalt  }
0x56: {  	_ =	shalt  }
0x57: {  	_ =	shalt  }
0x58: {  	_ =	shalt  }
0x59: {  	_ =	shalt  }
0x5a: {  	_ =	shalt  }
0x5b: {  	_ =	shalt  }
0x5c: {  	_ =	shalt  }
0x5d: {  	_ =	shalt  }
0x5e: {  	_ =	shalt  }
0x5f: {  	_ =	shalt  }
0x60: {  	_ =	shalt  }
0x61: {  	_ =	shalt  }
0x62: {  	_ =	shalt  }
0x63: {  	_ =	shalt  }
0x64: {  	_ =	shalt  }
0x65: {  	_ =	shalt  }
0x66: {  	_ =	shalt  }
0x67: {  	_ =	shalt  }
0x68: {  	_ =	shalt  }
0x69: {  	_ =	shalt  }
0x6a: {  	_ =	shalt  }
0x6b: {  	_ =	shalt  }
0x6c: {  	_ =	shalt  }
0x6d: {  	_ =	shalt  }
0x6e: {  	_ =	shalt  }
0x6f: {  	_ =	shalt  }
0x70: {  	_ =	shalt  }
0x71: {  	_ =	shalt  }
0x72: {  	_ =	shalt  }
0x73: {  	_ =	shalt  }
0x74: {  	_ =	shalt  }
0x75: {  	_ =	shalt  }
0x76: {  	_ =	shalt  }
0x77: {  	_ =	shalt  }
0x78: {  	_ =	shalt  }
0x79: {  	_ =	shalt  }
0x7a: {  	_ =	shalt  }
0x7b: {  	_ =	shalt  }
0x7c: {  	_ =	shalt  }
0x7d: {  	_ =	shalt  }
0x7e: {  	_ =	shalt  }
0x7f: {  	_ =	shalt  }
0x80: {  	_ =	shalt  }
0x81: {  	_ =	shalt  }
0x82: {  	_ =	shalt  }
0x83: {  	_ =	shalt  }
0x84: {  	_ =	shalt  }
0x85: {  	_ =	shalt  }
0x86: {  	_ =	shalt  }
0x87: {  	_ =	shalt  }
.Lfunc_end0:
.L_simem_size_0:
called_computation.1_lowered:
.L_overlay_start_0:
0x88: {  	s2 =	sld [smem:$0x3FD9]  }
0x89: {  	s3 =	sld [smem:$0x3FFE];
	_ =	sdelay $0x1  }
0x8a: {  	s1 =	srdreg.scid  }
0x8b: {  	s0 =	sand.u32 $0x1, s1  }
0x8c: {  	s17 =	sshll.u32 s0, $0xA;
	s2 =	sadd.s32 s3, s2  }
0x8d: {  	s2 =	sadd.s32 s2, s17  }
0x8e: {  	[smem:$0x3FC6] =	sst s2  }
0x8f: {  	_ = 	snop  }
0x90: {  	s2 =	sld [smem:$0x3FD0];
	(tm) =	ssettm $0x1  }
0x91: {  	s18 =	sld [smem:$0x3FFB];
	_ =	sdelay $0x3  }
0x92: {  	_ =	strace s18  }
0x93: {  	s3 =	sld [smem:$0x3FFC];
	_ =	sdelay $0x3  }
0x94: {  	_ =	strace s3  }
0x95: {  	s3 =	sld [smem:$0x3FFD];
	_ =	sdelay $0x3  }
0x96: {  	_ =	strace s3  }
0x97: {  	_ =	strace $0x8FFFFFFF  }
0x98: {  	s19 =	sld [smem:$0x3FDB];
	_ =	sdelay $0x1  }
0x99: {  	s4 =	simm.s32 $_scs_section_size  }
0x9a: {  	s5 =	simm.s32 $_size__tile_overlayer_lowered;
	s6 =	simm.s32 $_tile_overlayer_lowered  }
0x9b: {  	s22 =	simm.s32 $0x1BFF;
	s21 =	sshll.u32 s6, $0x1;
	s3 =	sadd.s32 s4, s19  }
0x9c: {  	s7 =	simm.s32 $0x0;
	s20 =	sshll.u32 s5, $0x1;
	s5 =	sadd.s32 s21, s3  }
0x9d: {  	[timem:s7], [sflag:s22] =	dma.local [hbm:s5], s20  }
0x9e: {  	_ =	swait.ge [sflag:s22], s20  }
0x9f: {  	s4 =	ssub.s32 $0x0, s20;
	[sflag:s22] =	ssyncset.done $0x0  }
0xa0: {  	[sflag:s22] =	ssyncadd.s32 s4;
	_ =	sdelay $0x1  }
0xa1: {  	s23 =	simm.s32 $0x1B8B  }
0xa2: {  	_ =	swait.ge [sflag:s23], $0x1  }
0xa3: {  	[sflag:s23] =	ssyncset.done $0x0  }
0xa4: {  	s25 =	simm.s32 $0x1B8E;
	s24 =	sld [smem:$0x3FFE];
	[sflag:s23] =	ssyncadd.s32 $0xFFFFFFFF  }
0xa5: {  	s26 =	simm.s32 $execute0_lowered;
	[smem:$0x3FD2] =	sst s25  }
0xa6: {  	s5 =	sshll.u32 s26, $0x1;
	_ =	strace $0x80000046;
	[dreg:$0x1] =	wrdreg $0xFFFFFFFF  }
0xa7: {  	s28 =	simm.s32 $_size_execute0_lowered;
	s3 =	sadd.s32 s3, s5;
	[dreg:$0x0] =	wrdreg $0x0  }
0xa8: {  	s5 =	sshll.u32 s28, $0x1;
	[dreg:$0x2] =	wrdreg s3  }
0xa9: {  	[dreg:$0x3] =	wrdreg s5  }
0xaa: {  	[dreg:$0x4] =	wrdreg $0xC0  }
0xab: {  	_ =	task [dreg:s7], $0x5FFFF  }
0xac: {  	[dreg:$0x1] =	wrdreg $0xFFFFFFFF  }
0xad: {  	[dreg:$0x0] =	wrdreg $0x60  }
0xae: {  	[dreg:$0x2] =	wrdreg s24  }
0xaf: {  	[dreg:$0x3] =	wrdreg s2  }
0xb0: {  	[dreg:$0x4] =	wrdreg $0x9  }
0xb1: {  	_ =	task.clear_ibuf [dreg:s7], $0x5FFFF;
	_ =	strace $0x90000046  }
0xb2: {  	s29 =	simm.s32 $0x9;
	_ =	strace $0x80000048  }
0xb3: {  	_ =	swait.ge [sflag:s29], $0x1  }
0xb4: {  	[sflag:s29] =	ssyncadd.s32 $0xFFFFFFFF  }
0xb5: {  	_ =	strace $0x90000048  }
0xb6: {  	_ =	sfence  }
0xb7: {  	s30 =	sld [smem:$0x0];
	_ =	sdelay $0x2  }
0xb8: {  	s31 =	sshll.u32 s1, $0xD;
	s1 =	sshrl.u32 s1, $0x2  }
0xb9: {  	s3 =	sand.u32 $0x4000, s31;
	s1 =	sadd.s32 s1, s30  }
0xba: {  	s0 =	sor.u32 s3, s0;
	s1 =	sshll.u32 s1, $0x11  }
0xbb: {  	s0 =	sor.u32 s1, s0  }
0xbc: {  	s0 =	sadd.s32 $0x8F2B, s0  }
0xbd: {  	[sflag:s0] =	ssyncadd.remote.s32 $0x1  }
0xbe: {  	_ =	sfence.sel $0xFFFF  }
0xbf: {  	[dreg:$0x0] =	wrdreg $0xFFFFFFFF;
	(pc) =	sbr.abs _section_cstart, $3  }
0xc0: {  	[dreg:$0x1] =	wrdreg $0xFFFFFFFF  }
0xc1: {  	_ =	task.clear_ibuf [dreg:s7], $0x2FFFF;
	_ =	strace $0x9FFFFFFF  }
0xc2: {  	(tm) =	ssettm $0x7FFFFFFF  }
0xc3: {  	_ =	shalt  }
tec
execute0_lowered:
.L_overlay_start_1:
0x0: {  	(tag) =	ssettag $0x1  }
0x1: {  	s0 =	srdreg.scid;
	s1 =	rddreg [dreg:$0x0]  }
0x2: {  	s7 =	stileid.u32;
	s4 =	rddreg [dreg:$0x1];
	s2 =	simm.s32 $0x0  }
0x3: {  	s9 =	simm.s32 $0x6400;
	s18 =	simm.s32 $0x9600;
	s29 =	simm.s32 $0xC800  }
0x4: {  	s14 =	simm.s32 $0x258;
	s15 =	simm.s32 $0xFA00;
	s16 =	simm.s32 $0x280  }
0x5: {  	s17 =	simm.s32 $0x10400;
	s19 =	simm.s32 $0x2A8;
	s20 =	simm.s32 $0x10E00  }
0x6: {  	s21 =	simm.s32 $0x2D0;
	s22 =	simm.s32 $0x11800;
	s23 =	simm.s32 $0x2F8  }
0x7: {  	s24 =	simm.s32 $0x12200;
	s28 =	simm.s32 $0x3;
	s30 =	simm.s32 $0x4  }
0x8: {  	s31 =	simm.s32 $0x0;
	s0 =	sand.u32 $0x1, s0;
	s3 =	sshll.u32 s7, $0x8  }
0x9: {  	[smem:$0x7FF] =	sst s2;
	s7 =	smul.u32 $0x64000, s7;
	s5 =	sshll.u32 s0, $0x7  }
0xa: {  	_ =	strace $0x80000047;
	s6 =	ssub.s32 $0x2, s0;
	s0 =	smul.u32 $0x32000, s0  }
.Ltmp0:
0xb: {  	s3 =	sor.u32 s5, s3;
	s8 =	sshrl.u32 s6, $0x1;
	(pc) =	sbr.rel .LBB2_1-.Ltmp0, $4  }
0xc: {  	s26 =	sadd.s32 s7, s4;
	s7 =	simm.s32 $0x5;
	s5 =	smul.u32 $0x19, s3  }
0xd: {  	s3 =	sadd.s32 $0xF42E00, s1;
	s25 =	ssub.s32 s6, s8;
	s8 =	simm.s32 $0x28  }
0xe: {  	s1 =	sadd.s32 s5, s1;
	s5 =	smax.u32 s25, $0x1;
	s25 =	simm.s32 $0x1  }
0xf: {  	s4 =	sadd.s32 $0xA00, s1;
	s1 =	sadd.s32 s0, s26;
	s26 =	simm.s32 $0x2  }
.LBB2_4:
0x10: {  	s31 =	sadd.s32 $0x1, s31  }
0x11: {  	p0 =	sne.s32 s31, s5  }
.Ltmp1:
0x12: {  	_ = 	snop;
	(pc) =	sbr.rel @!p0 .LBB2_5-.Ltmp1, $1  }
0x13: {  	_ =	sdelay $0x3  }
.LBB2_1:
0x14: {  	[tilespmem:s2], [sflag:$0x5] =	stream.linear.gather [hbm4b:s4+s2], $0x6400, $0x38;
	[tilespmem:$0x12C00] =	vst v63  }
0x15: {  	_ =	swait.ge [sflag:s7], $0x6400  }
0x16: {  	[sflag:s7] =	ssyncset.done $0x0  }
0x17: {  	[sflag:s7] =	ssyncadd.s32 $0xFFFF9C00  }
0x18: {  	[tilespmem:s9], [sflag:$0x1] =	stream.indirect.gather [hbm4b:s3+s8], $0x40, s2, s8, $0xb8;
	[tilespmem:$0x12C00] =	vst v63  }
0x19: {  	s0 =	simm.s32 $0x6E00  }
0x1a: {  	[tilespmem:s0], [sflag:$0x1] =	stream.indirect.gather [hbm4b:s3+s8], $0x40, s8, s8, $0xb8;
	[tilespmem:$0x12C00] =	vst v63  }
0x1b: {  	s13 =	simm.s32 $0x50;
	s6 =	simm.s32 $0x7800  }
0x1c: {  	[tilespmem:s6], [sflag:$0x1] =	stream.indirect.gather [hbm4b:s3+s8], $0x40, s13, s8, $0xb8;
	[tilespmem:$0x12C00] =	vst v63  }
0x1d: {  	s10 =	simm.s32 $0x78;
	s11 =	simm.s32 $0x8200  }
0x1e: {  	[tilespmem:s11], [sflag:$0x1] =	stream.indirect.gather [hbm4b:s3+s8], $0x40, s10, s8, $0xb8;
	[tilespmem:$0x12C00] =	vst v63  }
0x1f: {  	s12 =	simm.s32 $0xA0;
	s13 =	simm.s32 $0x8C00  }
0x20: {  	[tilespmem:s13], [sflag:$0x1] =	stream.indirect.gather [hbm4b:s3+s8], $0x40, s12, s8, $0xb8;
	[tilespmem:$0x12C00] =	vst v63  }
0x21: {  	s6 =	simm.s32 $0xC8  }
0x22: {  	[tilespmem:s18], [sflag:$0x2] =	stream.indirect.gather [hbm4b:s3+s8], $0x40, s6, s8, $0xb8;
	[tilespmem:$0x12C00] =	vst v63  }
0x23: {  	s10 =	simm.s32 $0xF0;
	s11 =	simm.s32 $0xA000  }
0x24: {  	[tilespmem:s11], [sflag:$0x2] =	stream.indirect.gather [hbm4b:s3+s8], $0x40, s10, s8, $0xb8;
	[tilespmem:$0x12C00] =	vst v63  }
0x25: {  	s12 =	simm.s32 $0x118;
	s13 =	simm.s32 $0xAA00  }
0x26: {  	[tilespmem:s13], [sflag:$0x2] =	stream.indirect.gather [hbm4b:s3+s8], $0x40, s12, s8, $0xb8;
	[tilespmem:$0x12C00] =	vst v63  }
0x27: {  	s10 =	simm.s32 $0x140;
	s11 =	simm.s32 $0xB400  }
0x28: {  	[tilespmem:s11], [sflag:$0x2] =	stream.indirect.gather [hbm4b:s3+s8], $0x40, s10, s8, $0xb8;
	[tilespmem:$0x12C00] =	vst v63  }
0x29: {  	s12 =	simm.s32 $0x168;
	s13 =	simm.s32 $0xBE00  }
0x2a: {  	[tilespmem:s13], [sflag:$0x2] =	stream.indirect.gather [hbm4b:s3+s8], $0x40, s12, s8, $0xb8;
	[tilespmem:$0x12C00] =	vst v63  }
0x2b: {  	s6 =	simm.s32 $0x190  }
0x2c: {  	[tilespmem:s29], [sflag:$0x3] =	stream.indirect.gather [hbm4b:s3+s8], $0x40, s6, s8, $0xb8;
	[tilespmem:$0x12C00] =	vst v63  }
0x2d: {  	s10 =	simm.s32 $0x1B8;
	s11 =	simm.s32 $0xD200  }
0x2e: {  	[tilespmem:s11], [sflag:$0x3] =	stream.indirect.gather [hbm4b:s3+s8], $0x40, s10, s8, $0xb8;
	[tilespmem:$0x12C00] =	vst v63  }
0x2f: {  	s12 =	simm.s32 $0x1E0;
	s13 =	simm.s32 $0xDC00  }
0x30: {  	[tilespmem:s13], [sflag:$0x3] =	stream.indirect.gather [hbm4b:s3+s8], $0x40, s12, s8, $0xb8;
	[tilespmem:$0x12C00] =	vst v63  }
0x31: {  	s10 =	simm.s32 $0x208;
	s11 =	simm.s32 $0xE600  }
0x32: {  	[tilespmem:s11], [sflag:$0x3] =	stream.indirect.gather [hbm4b:s3+s8], $0x40, s10, s8, $0xb8;
	[tilespmem:$0x12C00] =	vst v63  }
0x33: {  	s12 =	simm.s32 $0x230;
	s13 =	simm.s32 $0xF000  }
0x34: {  	[tilespmem:s13], [sflag:$0x3] =	stream.indirect.gather [hbm4b:s3+s8], $0x40, s12, s8, $0xb8;
	[tilespmem:$0x12C00] =	vst v63  }
0x35: {  	_ = 	snop  }
0x36: {  	[tilespmem:s15], [sflag:$0x4] =	stream.indirect.gather [hbm4b:s3+s8], $0x40, s14, s8, $0xb8;
	[tilespmem:$0x12C00] =	vst v63  }
0x37: {  	_ = 	snop  }
0x38: {  	[tilespmem:s17], [sflag:$0x4] =	stream.indirect.gather [hbm4b:s3+s8], $0x40, s16, s8, $0xb8;
	[tilespmem:$0x12C00] =	vst v63  }
0x39: {  	_ = 	snop  }
0x3a: {  	[tilespmem:s20], [sflag:$0x4] =	stream.indirect.gather [hbm4b:s3+s8], $0x40, s19, s8, $0xb8;
	[tilespmem:$0x12C00] =	vst v63  }
0x3b: {  	_ = 	snop  }
0x3c: {  	[tilespmem:s22], [sflag:$0x4] =	stream.indirect.gather [hbm4b:s3+s8], $0x40, s21, s8, $0xb8;
	[tilespmem:$0x12C00] =	vst v63  }
0x3d: {  	s0 =	simm.s32 $0x0;
	s6 =	smov.u32 s1  }
0x3e: {  	[tilespmem:s24], [sflag:$0x4] =	stream.indirect.gather [hbm4b:s3+s8], $0x40, s23, s8, $0xb8;
	[tilespmem:$0x12C00] =	vst v63  }
.LBB2_2:
0x3f: {  	_ =	swait.ge [sflag:s25], $0x3200  }
0x40: {  	[sflag:s25] =	ssyncset.done $0x0  }
0x41: {  	[sflag:s25] =	ssyncadd.s32 $0xFFFFCE00  }
0x42: {  	[hbm4b:s6+s2] =	stream.linear.scatter [tilespmem:s9], [sflag:$0x5], $0x3200, $0x38;
	[tilespmem:$0x12C00] =	vst v63  }
0x43: {  	p0 =	seq.s32 s0, $0x18380;
	_ =	swait.ge [sflag:s7], $0x3200  }
0x44: {  	s10 =	sshra.s32 @!p0 s0, $0x2;
	s12 =	simm.s32 @!p0 $0x28;
	[sflag:s7] =	ssyncset.done $0x0  }
0x45: {  	s13 =	simm.s32 @!p0 $0x6400;
	s11 =	sadd.s32 @!p0 $0x320, s10;
	[sflag:s7] =	ssyncadd.s32 $0xFFFFCE00  }
0x46: {  	[tilespmem:s13], [sflag:$0x1] =	stream.indirect.gather @!p0 [hbm4b:s3+s12], $0x40, s11, s12, $0xb8;
	[tilespmem:$0x12C00] =	vst v63  }
0x47: {  	s11 =	sadd.s32 @!p0 $0x348, s10;
	s13 =	simm.s32 @!p0 $0x6E00  }
0x48: {  	[tilespmem:s13], [sflag:$0x1] =	stream.indirect.gather @!p0 [hbm4b:s3+s12], $0x40, s11, s12, $0xb8;
	[tilespmem:$0x12C00] =	vst v63  }
0x49: {  	s11 =	sadd.s32 @!p0 $0x370, s10;
	s13 =	simm.s32 @!p0 $0x7800  }
0x4a: {  	[tilespmem:s13], [sflag:$0x1] =	stream.indirect.gather @!p0 [hbm4b:s3+s12], $0x40, s11, s12, $0xb8;
	[tilespmem:$0x12C00] =	vst v63  }
0x4b: {  	s11 =	sadd.s32 @!p0 $0x398, s10;
	s13 =	simm.s32 @!p0 $0x8200  }
0x4c: {  	[tilespmem:s13], [sflag:$0x1] =	stream.indirect.gather @!p0 [hbm4b:s3+s12], $0x40, s11, s12, $0xb8;
	[tilespmem:$0x12C00] =	vst v63  }
0x4d: {  	s11 =	sadd.s32 @!p0 $0x3C0, s10;
	s13 =	simm.s32 @!p0 $0x8C00  }
0x4e: {  	[tilespmem:s13], [sflag:$0x1] =	stream.indirect.gather @!p0 [hbm4b:s3+s12], $0x40, s11, s12, $0xb8;
	[tilespmem:$0x12C00] =	vst v63  }
0x4f: {  	_ =	swait.ge [sflag:s26], $0x3200  }
0x50: {  	[sflag:s26] =	ssyncset.done $0x0  }
0x51: {  	s13 =	sadd.s32 $0x640, s6;
	[sflag:s26] =	ssyncadd.s32 $0xFFFFCE00  }
0x52: {  	[hbm4b:s13+s2] =	stream.linear.scatter [tilespmem:s18], [sflag:$0x5], $0x3200, $0x38;
	[tilespmem:$0x12C00] =	vst v63  }
0x53: {  	_ =	swait.ge [sflag:s7], $0x3200  }
0x54: {  	[sflag:s7] =	ssyncset.done $0x0  }
0x55: {  	s11 =	sadd.s32 @!p0 $0x3E8, s10;
	s13 =	simm.s32 @!p0 $0x9600;
	[sflag:s7] =	ssyncadd.s32 $0xFFFFCE00  }
0x56: {  	[tilespmem:s13], [sflag:$0x2] =	stream.indirect.gather @!p0 [hbm4b:s3+s12], $0x40, s11, s12, $0xb8;
	[tilespmem:$0x12C00] =	vst v63  }
0x57: {  	s11 =	sadd.s32 @!p0 $0x410, s10;
	s13 =	simm.s32 @!p0 $0xA000  }
0x58: {  	[tilespmem:s13], [sflag:$0x2] =	stream.indirect.gather @!p0 [hbm4b:s3+s12], $0x40, s11, s12, $0xb8;
	[tilespmem:$0x12C00] =	vst v63  }
0x59: {  	s11 =	sadd.s32 @!p0 $0x438, s10;
	s13 =	simm.s32 @!p0 $0xAA00  }
0x5a: {  	[tilespmem:s13], [sflag:$0x2] =	stream.indirect.gather @!p0 [hbm4b:s3+s12], $0x40, s11, s12, $0xb8;
	[tilespmem:$0x12C00] =	vst v63  }
0x5b: {  	s11 =	sadd.s32 @!p0 $0x460, s10;
	s13 =	simm.s32 @!p0 $0xB400  }
0x5c: {  	[tilespmem:s13], [sflag:$0x2] =	stream.indirect.gather @!p0 [hbm4b:s3+s12], $0x40, s11, s12, $0xb8;
	[tilespmem:$0x12C00] =	vst v63  }
0x5d: {  	s11 =	sadd.s32 @!p0 $0x488, s10;
	s13 =	simm.s32 @!p0 $0xBE00  }
0x5e: {  	[tilespmem:s13], [sflag:$0x2] =	stream.indirect.gather @!p0 [hbm4b:s3+s12], $0x40, s11, s12, $0xb8;
	[tilespmem:$0x12C00] =	vst v63  }
0x5f: {  	_ =	swait.ge [sflag:s28], $0x3200  }
0x60: {  	[sflag:s28] =	ssyncset.done $0x0  }
0x61: {  	s13 =	sadd.s32 $0xC80, s6;
	[sflag:s28] =	ssyncadd.s32 $0xFFFFCE00  }
0x62: {  	[hbm4b:s13+s2] =	stream.linear.scatter [tilespmem:s29], [sflag:$0x5], $0x3200, $0x38;
	[tilespmem:$0x12C00] =	vst v63  }
0x63: {  	_ =	swait.ge [sflag:s7], $0x3200  }
0x64: {  	[sflag:s7] =	ssyncset.done $0x0  }
0x65: {  	s11 =	sadd.s32 @!p0 $0x4B0, s10;
	s13 =	simm.s32 @!p0 $0xC800;
	[sflag:s7] =	ssyncadd.s32 $0xFFFFCE00  }
0x66: {  	[tilespmem:s13], [sflag:$0x3] =	stream.indirect.gather @!p0 [hbm4b:s3+s12], $0x40, s11, s12, $0xb8;
	[tilespmem:$0x12C00] =	vst v63  }
0x67: {  	s11 =	sadd.s32 @!p0 $0x4D8, s10;
	s13 =	simm.s32 @!p0 $0xD200  }
0x68: {  	[tilespmem:s13], [sflag:$0x3] =	stream.indirect.gather @!p0 [hbm4b:s3+s12], $0x40, s11, s12, $0xb8;
	[tilespmem:$0x12C00] =	vst v63  }
0x69: {  	s11 =	sadd.s32 @!p0 $0x500, s10;
	s13 =	simm.s32 @!p0 $0xDC00  }
0x6a: {  	[tilespmem:s13], [sflag:$0x3] =	stream.indirect.gather @!p0 [hbm4b:s3+s12], $0x40, s11, s12, $0xb8;
	[tilespmem:$0x12C00] =	vst v63  }
0x6b: {  	s11 =	sadd.s32 @!p0 $0x528, s10;
	s13 =	simm.s32 @!p0 $0xE600  }
0x6c: {  	[tilespmem:s13], [sflag:$0x3] =	stream.indirect.gather @!p0 [hbm4b:s3+s12], $0x40, s11, s12, $0xb8;
	[tilespmem:$0x12C00] =	vst v63  }
0x6d: {  	s10 =	sadd.s32 @!p0 $0x550, s10;
	s11 =	simm.s32 @!p0 $0xF000  }
0x6e: {  	[tilespmem:s11], [sflag:$0x3] =	stream.indirect.gather @!p0 [hbm4b:s3+s12], $0x40, s10, s12, $0xb8;
	[tilespmem:$0x12C00] =	vst v63  }
0x6f: {  	_ =	swait.ge [sflag:s30], $0x3200  }
0x70: {  	[sflag:s30] =	ssyncset.done $0x0  }
.Ltmp2:
0x71: {  	s13 =	sadd.s32 $0x12C0, s6;
	[sflag:s30] =	ssyncadd.s32 $0xFFFFCE00;
	(pc) =	sbr.rel @p0 .LBB2_4-.Ltmp2, $4  }
0x72: {  	[hbm4b:s13+s2] =	stream.linear.scatter [tilespmem:s15], [sflag:$0x5], $0x3200, $0x38;
	[tilespmem:$0x12C00] =	vst v63  }
0x73: {  	_ =	swait.ge [sflag:s7], $0x3200  }
0x74: {  	[sflag:s7] =	ssyncset.done $0x0  }
0x75: {  	[sflag:s7] =	ssyncadd.s32 $0xFFFFCE00  }
0x76: {  	s10 =	sshra.s32 s0, $0x2  }
0x77: {  	s11 =	sadd.s32 $0x578, s10  }
0x78: {  	[tilespmem:s15], [sflag:$0x4] =	stream.indirect.gather [hbm4b:s3+s8], $0x40, s11, s8, $0xb8;
	[tilespmem:$0x12C00] =	vst v63  }
0x79: {  	s13 =	sadd.s32 $0x5A0, s10  }
0x7a: {  	[tilespmem:s17], [sflag:$0x4] =	stream.indirect.gather [hbm4b:s3+s8], $0x40, s13, s8, $0xb8;
	[tilespmem:$0x12C00] =	vst v63  }
0x7b: {  	s12 =	sadd.s32 $0x5C8, s10  }
0x7c: {  	[tilespmem:s20], [sflag:$0x4] =	stream.indirect.gather [hbm4b:s3+s8], $0x40, s12, s8, $0xb8;
	[tilespmem:$0x12C00] =	vst v63  }
.Ltmp3:
0x7d: {  	_ = 	snop;
	(pc) =	sbr.rel .LBB2_2-.Ltmp3, $4  }
0x7e: {  	s13 =	sadd.s32 $0x5F0, s10  }
0x7f: {  	[tilespmem:s22], [sflag:$0x4] =	stream.indirect.gather [hbm4b:s3+s8], $0x40, s13, s8, $0xb8;
	[tilespmem:$0x12C00] =	vst v63  }
0x80: {  	s0 =	sadd.s32 $0xC80, s0;
	s6 =	sadd.s32 $0x1900, s6;
	s10 =	sadd.s32 $0x618, s10  }
0x81: {  	[tilespmem:s24], [sflag:$0x4] =	stream.indirect.gather [hbm4b:s3+s8], $0x40, s10, s8, $0xb8;
	[tilespmem:$0x12C00] =	vst v63  }
.LBB2_5:
0x82: {  	_ =	sfence.sel $0x180000  }
0x83: {  	[bflag:$0x0] =	sbarrier.arrive $0xFFFF  }
0x84: {  	_ =	strace $0x90000047  }
0x85: {  	s0 =	stileid.u32;
	[bflag:$0x2] =	sbarrier.arrive $0xFFFF  }
0x86: {  	p0 =	sne.s32 s0, $0x0;
	s0 =	rddreg [dreg:$0x2]  }
0x87: {  	s0 =	sadd.s32 @!p0 $0x100000, s0  }
0x88: {  	[sflag:s0] =	ssyncadd.tile.s32 @!p0 $0x1;
	_ =	shalt  }
.Lfunc_end2:
_tile_overlayer_lowered:
.L_overlay_start_2:
0x89: {  	(tag) =	ssettag $0x2  }
0x8a: {  	s0 =	rddreg [dreg:$0x0];
	s2 =	stileid.u32  }
0x8b: {  	s1 =	rddreg [dreg:$0x1];
	p0 =	sne.s32 s2, $0x0  }
0x8c: {  	s3 =	rddreg [dreg:$0x2];
	[bflag:$0x3] =	sbarrier.arrive $0xFFFF;
	s2 =	simm.s32 @!p0 $0x1C05  }
0x8d: {  	[timem:s3], [sflag:s2] =	dma.local @!p0 [hbm:s0], s1  }
0x8e: {  	s0 =	simm.s32 @!p0 $0x5  }
0x8f: {  	_ =	swait.ge @!p0 [sflag:s0], s1  }
0x90: {  	s1 =	ssub.s32 @!p0 $0x0, s1;
	[sflag:s0] =	ssyncset.done @!p0 $0x0  }
0x91: {  	[sflag:s0] =	ssyncadd.s32 @!p0 s1  }
0x92: {  	[bflag:$0x3] =	sbarrier.arrive $0xFFFF  }
0x93: {  	_ =	shalt  }

// kernel: sparse-core-data-format-call.cloned.1.call-start
scs
called_computation_lowered:
.L_overlay_start_0:
0x0: {  	s2 =	sld [smem:$0x3FD9]  }
0x1: {  	s3 =	sld [smem:$0x3FFE];
	_ =	sdelay $0x1  }
0x2: {  	s1 =	srdreg.scid  }
0x3: {  	s0 =	sand.u32 $0x1, s1  }
0x4: {  	s18 =	sshll.u32 s0, $0xA;
	s2 =	sadd.s32 s3, s2  }
0x5: {  	s2 =	sadd.s32 s2, s18  }
0x6: {  	[smem:$0x3FC6] =	sst s2  }
0x7: {  	_ = 	snop  }
0x8: {  	s2 =	sld [smem:$0x3FD0];
	(tm) =	ssettm $0x1  }
0x9: {  	s19 =	sld [smem:$0x3FFB];
	_ =	sdelay $0x3  }
0xa: {  	_ =	strace s19  }
0xb: {  	s3 =	sld [smem:$0x3FFC];
	_ =	sdelay $0x3  }
0xc: {  	_ =	strace s3  }
0xd: {  	s3 =	sld [smem:$0x3FFD];
	_ =	sdelay $0x3  }
0xe: {  	_ =	strace s3  }
0xf: {  	_ =	strace $0x8FFFFFFF  }
0x10: {  	s20 =	sld [smem:$0x3FDB];
	_ =	sdelay $0x1  }
0x11: {  	s4 =	simm.s32 $_scs_section_size  }
0x12: {  	s5 =	simm.s32 $_size__tile_overlayer_lowered;
	s6 =	simm.s32 $_tile_overlayer_lowered  }
0x13: {  	s23 =	simm.s32 $0x1BFF;
	s22 =	sshll.u32 s6, $0x1;
	s3 =	sadd.s32 s4, s20  }
0x14: {  	s7 =	simm.s32 $0x0;
	s21 =	sshll.u32 s5, $0x1;
	s5 =	sadd.s32 s22, s3  }
0x15: {  	[timem:s7], [sflag:s23] =	dma.local [hbm:s5], s21  }
0x16: {  	_ =	swait.ge [sflag:s23], s21  }
0x17: {  	s4 =	ssub.s32 $0x0, s21;
	[sflag:s23] =	ssyncset.done $0x0  }
0x18: {  	[sflag:s23] =	ssyncadd.s32 s4;
	_ =	sdelay $0x1  }
0x19: {  	s24 =	simm.s32 $0x1B8B  }
0x1a: {  	_ =	swait.ge [sflag:s24], $0x1  }
0x1b: {  	[sflag:s24] =	ssyncset.done $0x0  }
0x1c: {  	s26 =	simm.s32 $0x1B8E;
	s25 =	sld [smem:$0x3FFE];
	[sflag:s24] =	ssyncadd.s32 $0xFFFFFFFF  }
0x1d: {  	s27 =	simm.s32 $execute0_lowered;
	[smem:$0x3FD2] =	sst s26  }
0x1e: {  	s5 =	sshll.u32 s27, $0x1;
	_ =	strace $0x80000049;
	[dreg:$0x1] =	wrdreg $0xFFFFFFFF  }
0x1f: {  	s28 =	simm.s32 $_size_execute0_lowered;
	s3 =	sadd.s32 s3, s5;
	[dreg:$0x0] =	wrdreg $0x0  }
0x20: {  	s5 =	sshll.u32 s28, $0x1;
	[dreg:$0x2] =	wrdreg s3  }
0x21: {  	[dreg:$0x3] =	wrdreg s5  }
0x22: {  	[dreg:$0x4] =	wrdreg $0xC0  }
0x23: {  	_ =	task [dreg:s7], $0x5FFFF  }
0x24: {  	[dreg:$0x1] =	wrdreg $0xFFFFFFFF  }
0x25: {  	[dreg:$0x0] =	wrdreg $0x60  }
0x26: {  	[dreg:$0x2] =	wrdreg s25  }
0x27: {  	[dreg:$0x3] =	wrdreg s2  }
0x28: {  	[dreg:$0x4] =	wrdreg $0x9  }
0x29: {  	_ =	task.clear_ibuf [dreg:s7], $0x5FFFF;
	_ =	strace $0x90000049  }
0x2a: {  	s29 =	simm.s32 $0x9;
	_ =	strace $0x8000004B  }
0x2b: {  	_ =	swait.ge [sflag:s29], $0x1  }
0x2c: {  	[sflag:s29] =	ssyncadd.s32 $0xFFFFFFFF  }
0x2d: {  	_ =	strace $0x9000004B  }
0x2e: {  	_ =	sfence  }
0x2f: {  	s30 =	sld [smem:$0x0];
	_ =	sdelay $0x2  }
0x30: {  	s31 =	sshll.u32 s1, $0xD;
	s1 =	sshrl.u32 s1, $0x2  }
0x31: {  	s3 =	sand.u32 $0x4000, s31;
	s1 =	sadd.s32 s1, s30  }
0x32: {  	s0 =	sor.u32 s3, s0;
	s1 =	sshll.u32 s1, $0x11  }
0x33: {  	s0 =	sor.u32 s1, s0  }
0x34: {  	s0 =	sadd.s32 $0x8F2B, s0  }
0x35: {  	[sflag:s0] =	ssyncadd.remote.s32 $0x1  }
0x36: {  	_ =	sfence.sel $0xFFFF  }
0x37: {  	[dreg:$0x0] =	wrdreg $0xFFFFFFFF;
	(pc) =	sbr.abs _section_cstart, $3  }
0x38: {  	[dreg:$0x1] =	wrdreg $0xFFFFFFFF  }
0x39: {  	_ =	task.clear_ibuf [dreg:s7], $0x2FFFF;
	_ =	strace $0x9FFFFFFF  }
0x3a: {  	(tm) =	ssettm $0x7FFFFFFF  }
0x3b: {  	_ =	shalt  }
tec
execute0_lowered:
.L_overlay_start_1:
0x0: {  	(tag) =	ssettag $0x1  }
0x1: {  	s0 =	srdreg.scid  }
0x2: {  	s1 =	sshll.u32 s0, $0x4  }
0x3: {  	s0 =	stileid.u32;
	s1 =	sand.u32 $0x10, s1  }
0x4: {  	s1 =	sor.u32 s0, s1  }
0x5: {  	s6 =	rddreg [dreg:$0x0];
	s4 =	simm.s32 $0x1;
	s2 =	sshll.u32 s1, $0x7  }
0x6: {  	s7 =	simm.s32 $0x2;
	s12 =	simm.s32 $0x0;
	s1 =	ssub.s32 $0x1000, s2  }
0x7: {  	s8 =	simm.s32 $0x8000;
	s13 =	simm.s32 $0x0;
	s3 =	sand.u32 $0xF80, s1  }
0x8: {  	s9 =	simm.s32 $0x0;
	s5 =	sshrl.u32 s1, $0xC;
	p0 =	sne.s32 s3, $0x0  }
.Ltmp0:
0x9: {  	s1 =	rddreg [dreg:$0x2];
	s4 =	simm.s32 @!p0 $0x0;
	(pc) =	sbr.rel .LBB1_1-.Ltmp0, $4  }
0xa: {  	s11 =	simm.s32 $0x0;
	s3 =	rddreg [dreg:$0x1];
	s5 =	sadd.s32 s4, s5  }
0xb: {  	_ =	strace $0x8000004A;
	s4 =	simm.s32 $0x1;
	s5 =	smul.u32 $0xC8, s5  }
0xc: {  	s6 =	sadd.s32 $0xA00, s6;
	s10 =	smov.u32 s2;
	[sflag:s4] =	ssyncpa.u1 $0x0  }
0xd: {  	p0 =	por $0x0, $0x0;
	[sflag:s7] =	ssyncpa.u1 $0x0;
	s7 =	sor.u32 $0x1, s5  }
.LBB1_4:
0xe: {  	s16 =	sshll.u32 s13, $0x3;
	s17 =	sand.u32 $0x78, s13  }
0xf: {  	s30 =	sand.u32 $0x7E00, s13;
	s12 =	sshll.u32 s12, $0xF;
	s16 =	sand.u32 $0xC00, s16  }
0x10: {  	[tilespmem:s15+$0x810 ss:$0x81] =	vst.msk $0xffff, v2;
	s31 =	sand.u32 $0x7, s13;
	s16 =	sor.u32 s17, s16;
	s17 =	sadd.s32 s3, s30  }
0x11: {  	[tilespmem:s15+$0x1020 ss:$0x81] =	vst.msk $0xffff, v0;
	s13 =	sshll.u32 s31, $0x12;
	s12 =	sadd.s32 s12, s17;
	s16 =	sshrl.u32 s16, $0x3  }
0x12: {  	[tilespmem:s15+$0x0 ss:$0x81] =	vst.msk $0xffff, v1;
	s13 =	sor.u32 $0x400, s13;
	s12 =	sadd.s32 s16, s12  }
0x13: {  	[hbm4b:s12+s13] =	stream.strided.scatter [tilespmem:s14], [sflag:$0x2], $0x2000, s8, s13, $0x20;
	[tilespmem:$0x8080] =	vst v63  }
.LBB1_5:
0x14: {  	s14 =	sadd.s32 $0x1, s9  }
0x15: {  	s12 =	sadd.s32 $0x1000, s10;
	s16 =	smov.u32 s10;
	p2 =	sgt.s32 s14, $0xC7  }
0x16: {  	s16 =	smov.u32 @p2 s12  }
0x17: {  	s14 =	simm.s32 @p2 $0x0;
	p2 =	sgt.s32 s16, $0xFFF  }
0x18: {  	s16 =	smov.u32 @p2 s2;
	p2 =	sne.s32 s11, s7  }
.Ltmp1:
0x19: {  	p1 =	slt.u32 s11, $0x2;
	(pc) =	sbr.rel @!p2 .LBB1_6-.Ltmp1, $4  }
0x1a: {  	s15 =	simm.s32 @!p1 $0x2  }
0x1b: {  	s13 =	smov.u32 s10;
	p0 =	por !p0, !p0;
	_ =	swait.ge @!p1 [sflag:s15], $0x2000  }
0x1c: {  	s12 =	smov.u32 s9;
	[sflag:s15] =	ssyncset.done @!p1 $0x0;
	s9 =	smov.u32 s14  }
0x1d: {  	s11 =	sadd.s32 $0x1, s11;
	[sflag:s15] =	ssyncadd.s32 @!p1 $0xFFFFE000;
	s10 =	smov.u32 s16  }
.LBB1_1:
0x1e: {  	p1 =	sge.u32 s11, s5  }
0x1f: {  	s14 =	sand.u32 @!p1 $0x1FFFFFF, s9  }
0x20: {  	s15 =	smulhi.u32 @!p1 $0x147AE15, s14;
	_ =	sdelay $0x1  }
0x21: {  	s15 =	smul.u32 @!p1 $0xC8, s15  }
0x22: {  	s16 =	sxor.u32 @!p1 $0xFFFFFFFF, s11;
	s17 =	smul.u32 @!p1 $0xC80, s10  }
0x23: {  	s31 =	sadd.s32 $0xFFFFFFFF, s11;
	s16 =	sshll.u32 @!p1 s16, $0xD;
	s14 =	ssub.s32 @!p1 s14, s15  }
0x24: {  	s15 =	sand.u32 @!p1 $0x2000, s16;
	s16 =	sadd.s32 @!p1 s6, s17;
	s14 =	sshll.u32 @!p1 s14, $0x4  }
0x25: {  	s17 =	simm.s32 @!p1 $0x6400;
	s14 =	sadd.s32 @!p1 s14, s16;
	s16 =	simm.s32 @!p1 $0x40  }
0x26: {  	[tilespmem:s15], [sflag:$0x1] =	stream.strided.gather @!p1 [hbm4b:s14+s16], $0x2000, s17, s16, $0x38;
	[tilespmem:$0x8080] =	vst v63  }
0x27: {  	p1 =	sge.u32 s31, s5  }
.Ltmp2:
0x28: {  	_ = 	snop;
	(pc) =	sbr.rel @p1 .LBB1_5-.Ltmp2, $1  }
0x29: {  	_ =	sdelay $0x3  }
0x2a: {  	s14 =	simm.s32 $0x1  }
0x2b: {  	_ =	swait.ge [sflag:s4], $0x2000;
	s14 =	simm.s32 @!p0 $0x0  }
0x2c: {  	[sflag:s4] =	ssyncset.done $0x0;
	s15 =	sshll.u32 s14, $0xD  }
0x2d: {  	[sflag:s4] =	ssyncadd.s32 $0xFFFFE000;
	s18 =	sor.u32 $0x20, s15  }
0x2e: {  	s14 =	smul.u32 $0x8100, s14;
	v3 =	vld [tilespmem:s18+$0x10]  }
0x2f: {  	s30 =	sand.u32 $0x1, s11;
	v2 =	vld [tilespmem:s18+$0xFFFFFFF0]  }
0x30: {  	s15 =	smul.u32 $0x8100, s30;
	s14 =	sshrl.u32 s14, $0x2;
	v0 =	vld [tilespmem:s18+$0x0]  }
0x31: {  	v1 =	vld [tilespmem:s18+$0xFFFFFFE0];
	s16 =	sor.u32 $0x4000, s14  }
0x32: {  	s31 =	sshrl.u32 s15, $0x2;
	s15 =	sadd.s32 $0x0, s16  }
0x33: {  	s17 =	simm.s32 $0x4;
	s18 =	sadd.s32 $0x40, s18;
	s14 =	sor.u32 $0x4000, s31;
	[tilespmem:s15+$0x1830 ss:$0x81] =	vst.msk $0xffff, v3  }
.LBB1_3:
0x34: {  	v3 =	vld [tilespmem:s18+$0x10];
	p1 =	sne.s32 s17, $0x1FC;
	[tilespmem:s15+$0x810 ss:$0x81] =	vst.msk $0xffff, v2;
	s19 =	smov.u32 s17;
	s17 =	sadd.s32 $0x4, s17  }
.Ltmp3:
0x35: {  	v2 =	vld [tilespmem:s18+$0xFFFFFFF0];
	[tilespmem:s15+$0x1020 ss:$0x81] =	vst.msk $0xffff, v0;
	(pc) =	sbr.rel @p1 .LBB1_3-.Ltmp3, $4  }
0x36: {  	v0 =	vld [tilespmem:s18+$0x0];
	[tilespmem:s15+$0x0 ss:$0x81] =	vst.msk $0xffff, v1  }
0x37: {  	s15 =	sshra.s32 s19, $0x2;
	v1 =	vld [tilespmem:s18+$0xFFFFFFE0]  }
0x38: {  	s15 =	sadd.s32 s15, s16  }
0x39: {  	s18 =	sadd.s32 $0x40, s18;
	[tilespmem:s15+$0x1830 ss:$0x81] =	vst.msk $0xffff, v3  }
.Ltmp4:
0x3a: {  	_ = 	snop;
	(pc) =	sbr.rel .LBB1_4-.Ltmp4, $1  }
0x3b: {  	_ =	sdelay $0x3  }
.LBB1_6:
0x3c: {  	_ =	sfence.sel $0x180000  }
0x3d: {  	s2 =	simm.s32 $0x1;
	[bflag:$0x0] =	sbarrier.arrive $0xFFFF  }
0x3e: {  	s31 =	simm.s32 $0x2;
	[sflag:s2] =	ssyncpa.u1 $0x1  }
0x3f: {  	[sflag:s31] =	ssyncpa.u1 $0x1  }
0x40: {  	p0 =	sne.s32 s0, $0x0;
	_ =	strace $0x9000004A  }
0x41: {  	s0 =	sadd.s32 @!p0 $0x100000, s1;
	[bflag:$0x2] =	sbarrier.arrive $0xFFFF  }
0x42: {  	[sflag:s0] =	ssyncadd.tile.s32 @!p0 $0x1;
	_ =	shalt  }
.Lfunc_end1:
_tile_overlayer_lowered:
.L_overlay_start_2:
0x43: {  	(tag) =	ssettag $0x2  }
0x44: {  	s0 =	rddreg [dreg:$0x0];
	s2 =	stileid.u32  }
0x45: {  	s1 =	rddreg [dreg:$0x1];
	p0 =	sne.s32 s2, $0x0  }
0x46: {  	s3 =	rddreg [dreg:$0x2];
	[bflag:$0x3] =	sbarrier.arrive $0xFFFF;
	s2 =	simm.s32 @!p0 $0x1C01  }
0x47: {  	[timem:s3], [sflag:s2] =	dma.local @!p0 [hbm:s0], s1  }
0x48: {  	s0 =	simm.s32 @!p0 $0x1  }
0x49: {  	_ =	swait.ge @!p0 [sflag:s0], s1  }
0x4a: {  	s1 =	ssub.s32 @!p0 $0x0, s1;
	[sflag:s0] =	ssyncset.done @!p0 $0x0  }
0x4b: {  	[sflag:s0] =	ssyncadd.s32 @!p0 s1  }
0x4c: {  	[bflag:$0x3] =	sbarrier.arrive $0xFFFF  }
0x4d: {  	_ =	shalt  }

</sc_bundles>
